<compile_context>
chip_gen: v7x
topology: tpu7x:2x2x1
jax: 0.10.2.dev20260603
libtpu: 0.0.44.dev20260713+nightly
codegen_flags: <defaults>
</compile_context>

<pallas_src>
import jax
import jax.numpy as jnp
from jax import lax
from jax.experimental import pallas as pl
from jax.experimental.pallas import tpu as pltpu
from jax.experimental.pallas import tpu_sc as plsc

VOCAB_SIZE = 100000
D = 32
B = 1024

V_TILE = 2048
N_V = (VOCAB_SIZE + V_TILE - 1) // V_TILE
V_PAD = N_V * V_TILE

_NC = 2
_NS = 16
_NW = _NC * _NS
_B_PER_W = B // _NW


def _gather_body(idx_hbm, tbl_t_hbm, out_hbm, idx_v, cols_v, sem):
    wid = lax.axis_index("s") * _NC + lax.axis_index("c")
    base = wid * _B_PER_W
    pltpu.sync_copy(idx_hbm.at[pl.ds(base, _B_PER_W)], idx_v)
    for k0 in range(0, D, 16):
        copies = [
            pltpu.async_copy(tbl_t_hbm.at[k].at[idx_v], cols_v.at[k], sem)
            for k in range(k0, k0 + 16)
        ]
        for c in copies:
            c.wait()
    pltpu.sync_copy(cols_v, out_hbm.at[:, pl.ds(base, _B_PER_W)])


def _sc_gather(tokens, table_t):
    f = pl.kernel(
        _gather_body,
        out_type=jax.ShapeDtypeStruct((D, B), jnp.float32),
        mesh=plsc.VectorSubcoreMesh(core_axis_name="c", subcore_axis_name="s"),
        scratch_types=[
            pltpu.VMEM((_B_PER_W,), jnp.int32),
            pltpu.VMEM((D, _B_PER_W), jnp.float32),
            pltpu.SemaphoreType.DMA,
        ],
        compiler_params=pltpu.CompilerParams(use_tc_tiling_on_sc=False),
    )
    return f(tokens, table_t)


def _mm(w_ref, e_ref):
    return lax.dot_general(
        w_ref[...], e_ref[...],
        dimension_numbers=(((0,), (0,)), ((), ())),
        preferred_element_type=jnp.float32,
    )


_N_CHUNK = 4
_CHUNK = V_TILE // _N_CHUNK


def _softmax_body(w_ref, e_ref, out_ref, s_ref, c_ref):
    p = pl.program_id(0)
    v = pl.program_id(1)

    @pl.when(p == 0)
    def _accum():
        @pl.when(v == 0)
        def _init():
            s_ref[...] = jnp.zeros_like(s_ref)

        total = jnp.zeros((1, B), jnp.float32)
        for c in range(_N_CHUNK):
            l2c = lax.dot_general(
                w_ref[:, c * _CHUNK:(c + 1) * _CHUNK], e_ref[...],
                dimension_numbers=(((0,), (0,)), ((), ())),
                preferred_element_type=jnp.float32,
            )
            total = total + jnp.sum(jnp.exp2(l2c), axis=0, keepdims=True)
        s_ref[...] = s_ref[...] + total

        @pl.when(v == N_V - 1)
        def _finalize():
            c_ref[...] = jnp.log2(s_ref[...])

    @pl.when(p == 1)
    def _emit():
        l2 = _mm(w_ref, e_ref)
        out_ref[...] = jnp.exp2(l2 - c_ref[...])


_LOG2E = 1.4426950408889634


def _tc_softmax(emb_t, W, b):
    wt_aug = jnp.concatenate([
        jnp.pad(W.T, ((0, 0), (0, V_PAD - VOCAB_SIZE))),
        jnp.pad(b[None, :] * _LOG2E, ((0, 0), (0, V_PAD - VOCAB_SIZE)),
                constant_values=-1e30),
    ], axis=0).astype(jnp.bfloat16)
    e_aug = jnp.concatenate(
        [emb_t * _LOG2E, jnp.ones((1, B), jnp.float32)],
        axis=0).astype(jnp.bfloat16)
    out_t = pl.pallas_call(
        _softmax_body,
        grid=(2, N_V),
        in_specs=[
            pl.BlockSpec((D + 1, V_TILE), lambda p, v: (0, v)),
            pl.BlockSpec((D + 1, B), lambda p, v: (0, 0)),
        ],
        out_specs=pl.BlockSpec((V_TILE, B), lambda p, v: (v * p, 0)),
        out_shape=jax.ShapeDtypeStruct((VOCAB_SIZE, B), jnp.float32),
        scratch_shapes=[
            pltpu.VMEM((1, B), jnp.float32),
            pltpu.VMEM((1, B), jnp.float32),
        ],
        compiler_params=pltpu.CompilerParams(
            dimension_semantics=("arbitrary", "arbitrary")),
    )(wt_aug, e_aug)
    return out_t.T


def kernel(tokenized_input, emb_table, W, b):
    emb_t = _sc_gather(tokenized_input.astype(jnp.int32), emb_table.T)
    return _tc_softmax(emb_t, W, b)

# --- scband reference (transcript-rebuilt; emitter-appended) ---
"""Pipeline reference for scband-dumb-enco-decoder-14748917694921 (READ-ONLY COPY).

The authoritative reference and input builder live on the scoring server;
editing this copy changes nothing except your own understanding.
"""

import jax, jax.numpy as jnp
import numpy as np

VOCAB = 100000
D_MODEL = 32
BATCH = 1024

def setup_inputs(seed: int = 0) -> dict:
    key = jax.random.key(seed)
    k1, k2, k3, k4 = jax.random.split(key, 4)
    tokenized_input = jax.random.randint(k1, (BATCH,), 0, VOCAB, dtype=jnp.int64 if jax.config.jax_enable_x64 else jnp.int32).astype(jnp.int32)
    # nn.Embedding default init: N(0,1)
    emb_table = jax.random.normal(k2, (VOCAB, D_MODEL), dtype=jnp.float32)
    # nn.Linear default init: U(-1/sqrt(fan_in), 1/sqrt(fan_in))
    bound = 1.0 / np.sqrt(D_MODEL)
    W = jax.random.uniform(k3, (VOCAB, D_MODEL), minval=-bound, maxval=bound, dtype=jnp.float32)
    b = jax.random.uniform(k4, (VOCAB,), minval=-bound, maxval=bound, dtype=jnp.float32)
    return {"tokenized_input": tokenized_input, "emb_table": emb_table, "W": W, "b": b}

def reference(tokenized_input, emb_table, W, b):
    # embedding lookup (gather)
    emb = jnp.take(emb_table, tokenized_input, axis=0)  # [B, d_model]
    # linear: d_model -> vocab
    logits = emb @ W.T + b  # [B, vocab]
    # nn.Softmax() on 2D input resolves to dim=1
    out = jax.nn.softmax(logits, axis=1)
    return out

if __name__ == "__main__":
    import jax
    _d = setup_inputs()
    print(jax.jit(kernel)(*tuple(_d.values())))

</pallas_src>

<mosaic_0001>
#map = affine_map<(d0, d1) -> (0)>
#map1 = affine_map<(d0, d1) -> (0, 0)>
module attributes {stable_mosaic.version = 14 : i64} {
  func.func @_gather_body(%arg0: i32, %arg1: i32, %arg2: memref<1024xi32, #tpu.memory_space<hbm>>, %arg3: memref<32x100000xf32, #tpu.memory_space<hbm>>, %arg4: memref<32x1024xf32, #tpu.memory_space<hbm>>, %arg5: memref<32xi32, #tpu.memory_space<vmem>>, %arg6: memref<32x32xf32, #tpu.memory_space<vmem>>, %arg7: memref<!tpu.dma_semaphore, #tpu.memory_space<semaphore_mem>>) attributes {dimension_semantics = [#tpu.dimension_semantics<core_parallel>, #tpu.dimension_semantics<subcore_parallel>], iteration_bounds = array<i64: 2, 16>, scalar_prefetch = 0 : i64, scratch_operands = 3 : i64, tpu.core_type = #tpu.core_type<sc_vector_subcore>, window_params = [{transform_indices = #map}, {transform_indices = #map1}, {transform_indices = #map1}]} {
    %mul3A = arith.constant 2 : i32
    %mul3A_0 = arith.muli %arg1, %mul3A : i32
    %add3A = arith.addi %mul3A_0, %arg0 : i32
    %mul3A_1 = arith.constant 32 : i32
    %mul3A_2 = arith.muli %add3A, %mul3A_1 : i32
    "tpu.region"() ({
      %run_scoped3A = tpu.sem_alloc : memref<!tpu.dma_semaphore, #tpu.memory_space<semaphore_mem>>
      %dma_start3A_641 = tpu.memref_slice %arg2[%mul3A_2] : memref<1024xi32, #tpu.memory_space<hbm>> -> memref<32xi32, #tpu.memory_space<hbm>>
      %dma_start3A_642 = tpu.memref_slice %arg2[%mul3A_2] : memref<1024xi32, #tpu.memory_space<hbm>> -> memref<32xi32, #tpu.memory_space<hbm>>
      tpu.enqueue_dma source(%dma_start3A_642 : memref<32xi32, #tpu.memory_space<hbm>>) target(%arg5 : memref<32xi32, #tpu.memory_space<vmem>>) target_semaphore(%run_scoped3A : memref<!tpu.dma_semaphore, #tpu.memory_space<semaphore_mem>>)
      %dma_wait3A_643 = tpu.memref_slice %arg2[%mul3A_2] : memref<1024xi32, #tpu.memory_space<hbm>> -> memref<32xi32, #tpu.memory_space<hbm>>
      %dma_wait3A_644 = tpu.memref_slice %arg2[%mul3A_2] : memref<1024xi32, #tpu.memory_space<hbm>> -> memref<32xi32, #tpu.memory_space<hbm>>
      tpu.wait_dma2 semaphore(%run_scoped3A : memref<!tpu.dma_semaphore, #tpu.memory_space<semaphore_mem>>) src(%dma_wait3A_644 : memref<32xi32, #tpu.memory_space<hbm>>) dst(%arg5 : memref<32xi32, #tpu.memory_space<vmem>>)
      tpu.yield
    }) : () -> ()
    %dma_start3A = arith.constant 0 : i32
    %dma_start3A_3 = arith.constant 0 : i32
    %dma_start3A_4 = arith.constant 0 : i32
    %dma_start3A_5 = tpu.memref_slice %arg6[%dma_start3A_3, %dma_start3A_4] : memref<32x32xf32, #tpu.memory_space<vmem>> -> memref<1x32xf32, #tpu.memory_space<vmem>>
    %dma_start3A_6 = tpu.memref_squeeze %dma_start3A_5 : memref<1x32xf32, #tpu.memory_space<vmem>> -> memref<32xf32, #tpu.memory_space<vmem>>
    %dma_start3A_7 = arith.constant 0 : i32
    %dma_start3A_8 = tpu.memref_slice %arg3[%dma_start3A, %dma_start3A_7] : memref<32x100000xf32, #tpu.memory_space<hbm>> -> memref<1x100000xf32, #tpu.memory_space<hbm>>
    %dma_start3A_9 = tpu.memref_squeeze %dma_start3A_8 : memref<1x100000xf32, #tpu.memory_space<hbm>> -> memref<100000xf32, #tpu.memory_space<hbm>>
    %dma_start3A_10 = arith.constant 0 : i32
    %dma_start3A_11 = tpu.memref_slice %dma_start3A_9[%dma_start3A_10] : memref<100000xf32, #tpu.memory_space<hbm>> -> memref<100000xf32, #tpu.memory_space<hbm>>
    tpu.enqueue_indirect_dma source(%dma_start3A_11 : memref<100000xf32, #tpu.memory_space<hbm>>) target(%dma_start3A_6 : memref<32xf32, #tpu.memory_space<vmem>>) offsets(%arg5 : memref<32xi32, #tpu.memory_space<vmem>>) semaphore(%arg7 : memref<!tpu.dma_semaphore, #tpu.memory_space<semaphore_mem>>)
    %dma_start3A_12 = arith.constant 1 : i32
    %dma_start3A_13 = arith.constant 1 : i32
    %dma_start3A_14 = arith.constant 0 : i32
    %dma_start3A_15 = tpu.memref_slice %arg6[%dma_start3A_13, %dma_start3A_14] : memref<32x32xf32, #tpu.memory_space<vmem>> -> memref<1x32xf32, #tpu.memory_space<vmem>>
    %dma_start3A_16 = tpu.memref_squeeze %dma_start3A_15 : memref<1x32xf32, #tpu.memory_space<vmem>> -> memref<32xf32, #tpu.memory_space<vmem>>
    %dma_start3A_17 = arith.constant 0 : i32
    %dma_start3A_18 = tpu.memref_slice %arg3[%dma_start3A_12, %dma_start3A_17] : memref<32x100000xf32, #tpu.memory_space<hbm>> -> memref<1x100000xf32, #tpu.memory_space<hbm>>
    %dma_start3A_19 = tpu.memref_squeeze %dma_start3A_18 : memref<1x100000xf32, #tpu.memory_space<hbm>> -> memref<100000xf32, #tpu.memory_space<hbm>>
    %dma_start3A_20 = arith.constant 0 : i32
    %dma_start3A_21 = tpu.memref_slice %dma_start3A_19[%dma_start3A_20] : memref<100000xf32, #tpu.memory_space<hbm>> -> memref<100000xf32, #tpu.memory_space<hbm>>
    tpu.enqueue_indirect_dma source(%dma_start3A_21 : memref<100000xf32, #tpu.memory_space<hbm>>) target(%dma_start3A_16 : memref<32xf32, #tpu.memory_space<vmem>>) offsets(%arg5 : memref<32xi32, #tpu.memory_space<vmem>>) semaphore(%arg7 : memref<!tpu.dma_semaphore, #tpu.memory_space<semaphore_mem>>)
    %dma_start3A_22 = arith.constant 2 : i32
    %dma_start3A_23 = arith.constant 2 : i32
    %dma_start3A_24 = arith.constant 0 : i32
    %dma_start3A_25 = tpu.memref_slice %arg6[%dma_start3A_23, %dma_start3A_24] : memref<32x32xf32, #tpu.memory_space<vmem>> -> memref<1x32xf32, #tpu.memory_space<vmem>>
    %dma_start3A_26 = tpu.memref_squeeze %dma_start3A_25 : memref<1x32xf32, #tpu.memory_space<vmem>> -> memref<32xf32, #tpu.memory_space<vmem>>
    %dma_start3A_27 = arith.constant 0 : i32
    %dma_start3A_28 = tpu.memref_slice %arg3[%dma_start3A_22, %dma_start3A_27] : memref<32x100000xf32, #tpu.memory_space<hbm>> -> memref<1x100000xf32, #tpu.memory_space<hbm>>
    %dma_start3A_29 = tpu.memref_squeeze %dma_start3A_28 : memref<1x100000xf32, #tpu.memory_space<hbm>> -> memref<100000xf32, #tpu.memory_space<hbm>>
    %dma_start3A_30 = arith.constant 0 : i32
    %dma_start3A_31 = tpu.memref_slice %dma_start3A_29[%dma_start3A_30] : memref<100000xf32, #tpu.memory_space<hbm>> -> memref<100000xf32, #tpu.memory_space<hbm>>
    tpu.enqueue_indirect_dma source(%dma_start3A_31 : memref<100000xf32, #tpu.memory_space<hbm>>) target(%dma_start3A_26 : memref<32xf32, #tpu.memory_space<vmem>>) offsets(%arg5 : memref<32xi32, #tpu.memory_space<vmem>>) semaphore(%arg7 : memref<!tpu.dma_semaphore, #tpu.memory_space<semaphore_mem>>)
    %dma_start3A_32 = arith.constant 3 : i32
    %dma_start3A_33 = arith.constant 3 : i32
    %dma_start3A_34 = arith.constant 0 : i32
    %dma_start3A_35 = tpu.memref_slice %arg6[%dma_start3A_33, %dma_start3A_34] : memref<32x32xf32, #tpu.memory_space<vmem>> -> memref<1x32xf32, #tpu.memory_space<vmem>>
    %dma_start3A_36 = tpu.memref_squeeze %dma_start3A_35 : memref<1x32xf32, #tpu.memory_space<vmem>> -> memref<32xf32, #tpu.memory_space<vmem>>
    %dma_start3A_37 = arith.constant 0 : i32
    %dma_start3A_38 = tpu.memref_slice %arg3[%dma_start3A_32, %dma_start3A_37] : memref<32x100000xf32, #tpu.memory_space<hbm>> -> memref<1x100000xf32, #tpu.memory_space<hbm>>
    %dma_start3A_39 = tpu.memref_squeeze %dma_start3A_38 : memref<1x100000xf32, #tpu.memory_space<hbm>> -> memref<100000xf32, #tpu.memory_space<hbm>>
    %dma_start3A_40 = arith.constant 0 : i32
    %dma_start3A_41 = tpu.memref_slice %dma_start3A_39[%dma_start3A_40] : memref<100000xf32, #tpu.memory_space<hbm>> -> memref<100000xf32, #tpu.memory_space<hbm>>
    tpu.enqueue_indirect_dma source(%dma_start3A_41 : memref<100000xf32, #tpu.memory_space<hbm>>) target(%dma_start3A_36 : memref<32xf32, #tpu.memory_space<vmem>>) offsets(%arg5 : memref<32xi32, #tpu.memory_space<vmem>>) semaphore(%arg7 : memref<!tpu.dma_semaphore, #tpu.memory_space<semaphore_mem>>)
    %dma_start3A_42 = arith.constant 4 : i32
    %dma_start3A_43 = arith.constant 4 : i32
    %dma_start3A_44 = arith.constant 0 : i32
    %dma_start3A_45 = tpu.memref_slice %arg6[%dma_start3A_43, %dma_start3A_44] : memref<32x32xf32, #tpu.memory_space<vmem>> -> memref<1x32xf32, #tpu.memory_space<vmem>>
    %dma_start3A_46 = tpu.memref_squeeze %dma_start3A_45 : memref<1x32xf32, #tpu.memory_space<vmem>> -> memref<32xf32, #tpu.memory_space<vmem>>
    %dma_start3A_47 = arith.constant 0 : i32
    %dma_start3A_48 = tpu.memref_slice %arg3[%dma_start3A_42, %dma_start3A_47] : memref<32x100000xf32, #tpu.memory_space<hbm>> -> memref<1x100000xf32, #tpu.memory_space<hbm>>
    %dma_start3A_49 = tpu.memref_squeeze %dma_start3A_48 : memref<1x100000xf32, #tpu.memory_space<hbm>> -> memref<100000xf32, #tpu.memory_space<hbm>>
    %dma_start3A_50 = arith.constant 0 : i32
    %dma_start3A_51 = tpu.memref_slice %dma_start3A_49[%dma_start3A_50] : memref<100000xf32, #tpu.memory_space<hbm>> -> memref<100000xf32, #tpu.memory_space<hbm>>
    tpu.enqueue_indirect_dma source(%dma_start3A_51 : memref<100000xf32, #tpu.memory_space<hbm>>) target(%dma_start3A_46 : memref<32xf32, #tpu.memory_space<vmem>>) offsets(%arg5 : memref<32xi32, #tpu.memory_space<vmem>>) semaphore(%arg7 : memref<!tpu.dma_semaphore, #tpu.memory_space<semaphore_mem>>)
    %dma_start3A_52 = arith.constant 5 : i32
    %dma_start3A_53 = arith.constant 5 : i32
    %dma_start3A_54 = arith.constant 0 : i32
    %dma_start3A_55 = tpu.memref_slice %arg6[%dma_start3A_53, %dma_start3A_54] : memref<32x32xf32, #tpu.memory_space<vmem>> -> memref<1x32xf32, #tpu.memory_space<vmem>>
    %dma_start3A_56 = tpu.memref_squeeze %dma_start3A_55 : memref<1x32xf32, #tpu.memory_space<vmem>> -> memref<32xf32, #tpu.memory_space<vmem>>
    %dma_start3A_57 = arith.constant 0 : i32
    %dma_start3A_58 = tpu.memref_slice %arg3[%dma_start3A_52, %dma_start3A_57] : memref<32x100000xf32, #tpu.memory_space<hbm>> -> memref<1x100000xf32, #tpu.memory_space<hbm>>
    %dma_start3A_59 = tpu.memref_squeeze %dma_start3A_58 : memref<1x100000xf32, #tpu.memory_space<hbm>> -> memref<100000xf32, #tpu.memory_space<hbm>>
    %dma_start3A_60 = arith.constant 0 : i32
    %dma_start3A_61 = tpu.memref_slice %dma_start3A_59[%dma_start3A_60] : memref<100000xf32, #tpu.memory_space<hbm>> -> memref<100000xf32, #tpu.memory_space<hbm>>
    tpu.enqueue_indirect_dma source(%dma_start3A_61 : memref<100000xf32, #tpu.memory_space<hbm>>) target(%dma_start3A_56 : memref<32xf32, #tpu.memory_space<vmem>>) offsets(%arg5 : memref<32xi32, #tpu.memory_space<vmem>>) semaphore(%arg7 : memref<!tpu.dma_semaphore, #tpu.memory_space<semaphore_mem>>)
    %dma_start3A_62 = arith.constant 6 : i32
    %dma_start3A_63 = arith.constant 6 : i32
    %dma_start3A_64 = arith.constant 0 : i32
    %dma_start3A_65 = tpu.memref_slice %arg6[%dma_start3A_63, %dma_start3A_64] : memref<32x32xf32, #tpu.memory_space<vmem>> -> memref<1x32xf32, #tpu.memory_space<vmem>>
    %dma_start3A_66 = tpu.memref_squeeze %dma_start3A_65 : memref<1x32xf32, #tpu.memory_space<vmem>> -> memref<32xf32, #tpu.memory_space<vmem>>
    %dma_start3A_67 = arith.constant 0 : i32
    %dma_start3A_68 = tpu.memref_slice %arg3[%dma_start3A_62, %dma_start3A_67] : memref<32x100000xf32, #tpu.memory_space<hbm>> -> memref<1x100000xf32, #tpu.memory_space<hbm>>
    %dma_start3A_69 = tpu.memref_squeeze %dma_start3A_68 : memref<1x100000xf32, #tpu.memory_space<hbm>> -> memref<100000xf32, #tpu.memory_space<hbm>>
    %dma_start3A_70 = arith.constant 0 : i32
    %dma_start3A_71 = tpu.memref_slice %dma_start3A_69[%dma_start3A_70] : memref<100000xf32, #tpu.memory_space<hbm>> -> memref<100000xf32, #tpu.memory_space<hbm>>
    tpu.enqueue_indirect_dma source(%dma_start3A_71 : memref<100000xf32, #tpu.memory_space<hbm>>) target(%dma_start3A_66 : memref<32xf32, #tpu.memory_space<vmem>>) offsets(%arg5 : memref<32xi32, #tpu.memory_space<vmem>>) semaphore(%arg7 : memref<!tpu.dma_semaphore, #tpu.memory_space<semaphore_mem>>)
    %dma_start3A_72 = arith.constant 7 : i32
    %dma_start3A_73 = arith.constant 7 : i32
    %dma_start3A_74 = arith.constant 0 : i32
    %dma_start3A_75 = tpu.memref_slice %arg6[%dma_start3A_73, %dma_start3A_74] : memref<32x32xf32, #tpu.memory_space<vmem>> -> memref<1x32xf32, #tpu.memory_space<vmem>>
    %dma_start3A_76 = tpu.memref_squeeze %dma_start3A_75 : memref<1x32xf32, #tpu.memory_space<vmem>> -> memref<32xf32, #tpu.memory_space<vmem>>
    %dma_start3A_77 = arith.constant 0 : i32
    %dma_start3A_78 = tpu.memref_slice %arg3[%dma_start3A_72, %dma_start3A_77] : memref<32x100000xf32, #tpu.memory_space<hbm>> -> memref<1x100000xf32, #tpu.memory_space<hbm>>
    %dma_start3A_79 = tpu.memref_squeeze %dma_start3A_78 : memref<1x100000xf32, #tpu.memory_space<hbm>> -> memref<100000xf32, #tpu.memory_space<hbm>>
    %dma_start3A_80 = arith.constant 0 : i32
    %dma_start3A_81 = tpu.memref_slice %dma_start3A_79[%dma_start3A_80] : memref<100000xf32, #tpu.memory_space<hbm>> -> memref<100000xf32, #tpu.memory_space<hbm>>
    tpu.enqueue_indirect_dma source(%dma_start3A_81 : memref<100000xf32, #tpu.memory_space<hbm>>) target(%dma_start3A_76 : memref<32xf32, #tpu.memory_space<vmem>>) offsets(%arg5 : memref<32xi32, #tpu.memory_space<vmem>>) semaphore(%arg7 : memref<!tpu.dma_semaphore, #tpu.memory_space<semaphore_mem>>)
    %dma_start3A_82 = arith.constant 8 : i32
    %dma_start3A_83 = arith.constant 8 : i32
    %dma_start3A_84 = arith.constant 0 : i32
    %dma_start3A_85 = tpu.memref_slice %arg6[%dma_start3A_83, %dma_start3A_84] : memref<32x32xf32, #tpu.memory_space<vmem>> -> memref<1x32xf32, #tpu.memory_space<vmem>>
    %dma_start3A_86 = tpu.memref_squeeze %dma_start3A_85 : memref<1x32xf32, #tpu.memory_space<vmem>> -> memref<32xf32, #tpu.memory_space<vmem>>
    %dma_start3A_87 = arith.constant 0 : i32
    %dma_start3A_88 = tpu.memref_slice %arg3[%dma_start3A_82, %dma_start3A_87] : memref<32x100000xf32, #tpu.memory_space<hbm>> -> memref<1x100000xf32, #tpu.memory_space<hbm>>
    %dma_start3A_89 = tpu.memref_squeeze %dma_start3A_88 : memref<1x100000xf32, #tpu.memory_space<hbm>> -> memref<100000xf32, #tpu.memory_space<hbm>>
    %dma_start3A_90 = arith.constant 0 : i32
    %dma_start3A_91 = tpu.memref_slice %dma_start3A_89[%dma_start3A_90] : memref<100000xf32, #tpu.memory_space<hbm>> -> memref<100000xf32, #tpu.memory_space<hbm>>
    tpu.enqueue_indirect_dma source(%dma_start3A_91 : memref<100000xf32, #tpu.memory_space<hbm>>) target(%dma_start3A_86 : memref<32xf32, #tpu.memory_space<vmem>>) offsets(%arg5 : memref<32xi32, #tpu.memory_space<vmem>>) semaphore(%arg7 : memref<!tpu.dma_semaphore, #tpu.memory_space<semaphore_mem>>)
    %dma_start3A_92 = arith.constant 9 : i32
    %dma_start3A_93 = arith.constant 9 : i32
    %dma_start3A_94 = arith.constant 0 : i32
    %dma_start3A_95 = tpu.memref_slice %arg6[%dma_start3A_93, %dma_start3A_94] : memref<32x32xf32, #tpu.memory_space<vmem>> -> memref<1x32xf32, #tpu.memory_space<vmem>>
    %dma_start3A_96 = tpu.memref_squeeze %dma_start3A_95 : memref<1x32xf32, #tpu.memory_space<vmem>> -> memref<32xf32, #tpu.memory_space<vmem>>
    %dma_start3A_97 = arith.constant 0 : i32
    %dma_start3A_98 = tpu.memref_slice %arg3[%dma_start3A_92, %dma_start3A_97] : memref<32x100000xf32, #tpu.memory_space<hbm>> -> memref<1x100000xf32, #tpu.memory_space<hbm>>
    %dma_start3A_99 = tpu.memref_squeeze %dma_start3A_98 : memref<1x100000xf32, #tpu.memory_space<hbm>> -> memref<100000xf32, #tpu.memory_space<hbm>>
    %dma_start3A_100 = arith.constant 0 : i32
    %dma_start3A_101 = tpu.memref_slice %dma_start3A_99[%dma_start3A_100] : memref<100000xf32, #tpu.memory_space<hbm>> -> memref<100000xf32, #tpu.memory_space<hbm>>
    tpu.enqueue_indirect_dma source(%dma_start3A_101 : memref<100000xf32, #tpu.memory_space<hbm>>) target(%dma_start3A_96 : memref<32xf32, #tpu.memory_space<vmem>>) offsets(%arg5 : memref<32xi32, #tpu.memory_space<vmem>>) semaphore(%arg7 : memref<!tpu.dma_semaphore, #tpu.memory_space<semaphore_mem>>)
    %dma_start3A_102 = arith.constant 10 : i32
    %dma_start3A_103 = arith.constant 10 : i32
    %dma_start3A_104 = arith.constant 0 : i32
    %dma_start3A_105 = tpu.memref_slice %arg6[%dma_start3A_103, %dma_start3A_104] : memref<32x32xf32, #tpu.memory_space<vmem>> -> memref<1x32xf32, #tpu.memory_space<vmem>>
    %dma_start3A_106 = tpu.memref_squeeze %dma_start3A_105 : memref<1x32xf32, #tpu.memory_space<vmem>> -> memref<32xf32, #tpu.memory_space<vmem>>
    %dma_start3A_107 = arith.constant 0 : i32
    %dma_start3A_108 = tpu.memref_slice %arg3[%dma_start3A_102, %dma_start3A_107] : memref<32x100000xf32, #tpu.memory_space<hbm>> -> memref<1x100000xf32, #tpu.memory_space<hbm>>
    %dma_start3A_109 = tpu.memref_squeeze %dma_start3A_108 : memref<1x100000xf32, #tpu.memory_space<hbm>> -> memref<100000xf32, #tpu.memory_space<hbm>>
    %dma_start3A_110 = arith.constant 0 : i32
    %dma_start3A_111 = tpu.memref_slice %dma_start3A_109[%dma_start3A_110] : memref<100000xf32, #tpu.memory_space<hbm>> -> memref<100000xf32, #tpu.memory_space<hbm>>
    tpu.enqueue_indirect_dma source(%dma_start3A_111 : memref<100000xf32, #tpu.memory_space<hbm>>) target(%dma_start3A_106 : memref<32xf32, #tpu.memory_space<vmem>>) offsets(%arg5 : memref<32xi32, #tpu.memory_space<vmem>>) semaphore(%arg7 : memref<!tpu.dma_semaphore, #tpu.memory_space<semaphore_mem>>)
    %dma_start3A_112 = arith.constant 11 : i32
    %dma_start3A_113 = arith.constant 11 : i32
    %dma_start3A_114 = arith.constant 0 : i32
    %dma_start3A_115 = tpu.memref_slice %arg6[%dma_start3A_113, %dma_start3A_114] : memref<32x32xf32, #tpu.memory_space<vmem>> -> memref<1x32xf32, #tpu.memory_space<vmem>>
    %dma_start3A_116 = tpu.memref_squeeze %dma_start3A_115 : memref<1x32xf32, #tpu.memory_space<vmem>> -> memref<32xf32, #tpu.memory_space<vmem>>
    %dma_start3A_117 = arith.constant 0 : i32
    %dma_start3A_118 = tpu.memref_slice %arg3[%dma_start3A_112, %dma_start3A_117] : memref<32x100000xf32, #tpu.memory_space<hbm>> -> memref<1x100000xf32, #tpu.memory_space<hbm>>
    %dma_start3A_119 = tpu.memref_squeeze %dma_start3A_118 : memref<1x100000xf32, #tpu.memory_space<hbm>> -> memref<100000xf32, #tpu.memory_space<hbm>>
    %dma_start3A_120 = arith.constant 0 : i32
    %dma_start3A_121 = tpu.memref_slice %dma_start3A_119[%dma_start3A_120] : memref<100000xf32, #tpu.memory_space<hbm>> -> memref<100000xf32, #tpu.memory_space<hbm>>
    tpu.enqueue_indirect_dma source(%dma_start3A_121 : memref<100000xf32, #tpu.memory_space<hbm>>) target(%dma_start3A_116 : memref<32xf32, #tpu.memory_space<vmem>>) offsets(%arg5 : memref<32xi32, #tpu.memory_space<vmem>>) semaphore(%arg7 : memref<!tpu.dma_semaphore, #tpu.memory_space<semaphore_mem>>)
    %dma_start3A_122 = arith.constant 12 : i32
    %dma_start3A_123 = arith.constant 12 : i32
    %dma_start3A_124 = arith.constant 0 : i32
    %dma_start3A_125 = tpu.memref_slice %arg6[%dma_start3A_123, %dma_start3A_124] : memref<32x32xf32, #tpu.memory_space<vmem>> -> memref<1x32xf32, #tpu.memory_space<vmem>>
    %dma_start3A_126 = tpu.memref_squeeze %dma_start3A_125 : memref<1x32xf32, #tpu.memory_space<vmem>> -> memref<32xf32, #tpu.memory_space<vmem>>
    %dma_start3A_127 = arith.constant 0 : i32
    %dma_start3A_128 = tpu.memref_slice %arg3[%dma_start3A_122, %dma_start3A_127] : memref<32x100000xf32, #tpu.memory_space<hbm>> -> memref<1x100000xf32, #tpu.memory_space<hbm>>
    %dma_start3A_129 = tpu.memref_squeeze %dma_start3A_128 : memref<1x100000xf32, #tpu.memory_space<hbm>> -> memref<100000xf32, #tpu.memory_space<hbm>>
    %dma_start3A_130 = arith.constant 0 : i32
    %dma_start3A_131 = tpu.memref_slice %dma_start3A_129[%dma_start3A_130] : memref<100000xf32, #tpu.memory_space<hbm>> -> memref<100000xf32, #tpu.memory_space<hbm>>
    tpu.enqueue_indirect_dma source(%dma_start3A_131 : memref<100000xf32, #tpu.memory_space<hbm>>) target(%dma_start3A_126 : memref<32xf32, #tpu.memory_space<vmem>>) offsets(%arg5 : memref<32xi32, #tpu.memory_space<vmem>>) semaphore(%arg7 : memref<!tpu.dma_semaphore, #tpu.memory_space<semaphore_mem>>)
    %dma_start3A_132 = arith.constant 13 : i32
    %dma_start3A_133 = arith.constant 13 : i32
    %dma_start3A_134 = arith.constant 0 : i32
    %dma_start3A_135 = tpu.memref_slice %arg6[%dma_start3A_133, %dma_start3A_134] : memref<32x32xf32, #tpu.memory_space<vmem>> -> memref<1x32xf32, #tpu.memory_space<vmem>>
    %dma_start3A_136 = tpu.memref_squeeze %dma_start3A_135 : memref<1x32xf32, #tpu.memory_space<vmem>> -> memref<32xf32, #tpu.memory_space<vmem>>
    %dma_start3A_137 = arith.constant 0 : i32
    %dma_start3A_138 = tpu.memref_slice %arg3[%dma_start3A_132, %dma_start3A_137] : memref<32x100000xf32, #tpu.memory_space<hbm>> -> memref<1x100000xf32, #tpu.memory_space<hbm>>
    %dma_start3A_139 = tpu.memref_squeeze %dma_start3A_138 : memref<1x100000xf32, #tpu.memory_space<hbm>> -> memref<100000xf32, #tpu.memory_space<hbm>>
    %dma_start3A_140 = arith.constant 0 : i32
    %dma_start3A_141 = tpu.memref_slice %dma_start3A_139[%dma_start3A_140] : memref<100000xf32, #tpu.memory_space<hbm>> -> memref<100000xf32, #tpu.memory_space<hbm>>
    tpu.enqueue_indirect_dma source(%dma_start3A_141 : memref<100000xf32, #tpu.memory_space<hbm>>) target(%dma_start3A_136 : memref<32xf32, #tpu.memory_space<vmem>>) offsets(%arg5 : memref<32xi32, #tpu.memory_space<vmem>>) semaphore(%arg7 : memref<!tpu.dma_semaphore, #tpu.memory_space<semaphore_mem>>)
    %dma_start3A_142 = arith.constant 14 : i32
    %dma_start3A_143 = arith.constant 14 : i32
    %dma_start3A_144 = arith.constant 0 : i32
    %dma_start3A_145 = tpu.memref_slice %arg6[%dma_start3A_143, %dma_start3A_144] : memref<32x32xf32, #tpu.memory_space<vmem>> -> memref<1x32xf32, #tpu.memory_space<vmem>>
    %dma_start3A_146 = tpu.memref_squeeze %dma_start3A_145 : memref<1x32xf32, #tpu.memory_space<vmem>> -> memref<32xf32, #tpu.memory_space<vmem>>
    %dma_start3A_147 = arith.constant 0 : i32
    %dma_start3A_148 = tpu.memref_slice %arg3[%dma_start3A_142, %dma_start3A_147] : memref<32x100000xf32, #tpu.memory_space<hbm>> -> memref<1x100000xf32, #tpu.memory_space<hbm>>
    %dma_start3A_149 = tpu.memref_squeeze %dma_start3A_148 : memref<1x100000xf32, #tpu.memory_space<hbm>> -> memref<100000xf32, #tpu.memory_space<hbm>>
    %dma_start3A_150 = arith.constant 0 : i32
    %dma_start3A_151 = tpu.memref_slice %dma_start3A_149[%dma_start3A_150] : memref<100000xf32, #tpu.memory_space<hbm>> -> memref<100000xf32, #tpu.memory_space<hbm>>
    tpu.enqueue_indirect_dma source(%dma_start3A_151 : memref<100000xf32, #tpu.memory_space<hbm>>) target(%dma_start3A_146 : memref<32xf32, #tpu.memory_space<vmem>>) offsets(%arg5 : memref<32xi32, #tpu.memory_space<vmem>>) semaphore(%arg7 : memref<!tpu.dma_semaphore, #tpu.memory_space<semaphore_mem>>)
    %dma_start3A_152 = arith.constant 15 : i32
    %dma_start3A_153 = arith.constant 15 : i32
    %dma_start3A_154 = arith.constant 0 : i32
    %dma_start3A_155 = tpu.memref_slice %arg6[%dma_start3A_153, %dma_start3A_154] : memref<32x32xf32, #tpu.memory_space<vmem>> -> memref<1x32xf32, #tpu.memory_space<vmem>>
    %dma_start3A_156 = tpu.memref_squeeze %dma_start3A_155 : memref<1x32xf32, #tpu.memory_space<vmem>> -> memref<32xf32, #tpu.memory_space<vmem>>
    %dma_start3A_157 = arith.constant 0 : i32
    %dma_start3A_158 = tpu.memref_slice %arg3[%dma_start3A_152, %dma_start3A_157] : memref<32x100000xf32, #tpu.memory_space<hbm>> -> memref<1x100000xf32, #tpu.memory_space<hbm>>
    %dma_start3A_159 = tpu.memref_squeeze %dma_start3A_158 : memref<1x100000xf32, #tpu.memory_space<hbm>> -> memref<100000xf32, #tpu.memory_space<hbm>>
    %dma_start3A_160 = arith.constant 0 : i32
    %dma_start3A_161 = tpu.memref_slice %dma_start3A_159[%dma_start3A_160] : memref<100000xf32, #tpu.memory_space<hbm>> -> memref<100000xf32, #tpu.memory_space<hbm>>
    tpu.enqueue_indirect_dma source(%dma_start3A_161 : memref<100000xf32, #tpu.memory_space<hbm>>) target(%dma_start3A_156 : memref<32xf32, #tpu.memory_space<vmem>>) offsets(%arg5 : memref<32xi32, #tpu.memory_space<vmem>>) semaphore(%arg7 : memref<!tpu.dma_semaphore, #tpu.memory_space<semaphore_mem>>)
    %dma_wait3A = arith.constant 0 : i32
    %dma_wait3A_162 = arith.constant 0 : i32
    %dma_wait3A_163 = arith.constant 0 : i32
    %dma_wait3A_164 = tpu.memref_slice %arg6[%dma_wait3A_162, %dma_wait3A_163] : memref<32x32xf32, #tpu.memory_space<vmem>> -> memref<1x32xf32, #tpu.memory_space<vmem>>
    %dma_wait3A_165 = tpu.memref_squeeze %dma_wait3A_164 : memref<1x32xf32, #tpu.memory_space<vmem>> -> memref<32xf32, #tpu.memory_space<vmem>>
    %dma_wait3A_166 = arith.constant 0 : i32
    %dma_wait3A_167 = tpu.memref_slice %arg3[%dma_wait3A, %dma_wait3A_166] : memref<32x100000xf32, #tpu.memory_space<hbm>> -> memref<1x100000xf32, #tpu.memory_space<hbm>>
    %dma_wait3A_168 = tpu.memref_squeeze %dma_wait3A_167 : memref<1x100000xf32, #tpu.memory_space<hbm>> -> memref<100000xf32, #tpu.memory_space<hbm>>
    %dma_wait3A_169 = arith.constant 0 : i32
    %dma_wait3A_170 = tpu.memref_slice %dma_wait3A_168[%dma_wait3A_169] : memref<100000xf32, #tpu.memory_space<hbm>> -> memref<100000xf32, #tpu.memory_space<hbm>>
    tpu.wait_indirect_dma semaphore(%arg7 : memref<!tpu.dma_semaphore, #tpu.memory_space<semaphore_mem>>) src(%dma_wait3A_170 : memref<100000xf32, #tpu.memory_space<hbm>>) dst(%dma_wait3A_165 : memref<32xf32, #tpu.memory_space<vmem>>)
    %dma_wait3A_171 = arith.constant 1 : i32
    %dma_wait3A_172 = arith.constant 1 : i32
    %dma_wait3A_173 = arith.constant 0 : i32
    %dma_wait3A_174 = tpu.memref_slice %arg6[%dma_wait3A_172, %dma_wait3A_173] : memref<32x32xf32, #tpu.memory_space<vmem>> -> memref<1x32xf32, #tpu.memory_space<vmem>>
    %dma_wait3A_175 = tpu.memref_squeeze %dma_wait3A_174 : memref<1x32xf32, #tpu.memory_space<vmem>> -> memref<32xf32, #tpu.memory_space<vmem>>
    %dma_wait3A_176 = arith.constant 0 : i32
    %dma_wait3A_177 = tpu.memref_slice %arg3[%dma_wait3A_171, %dma_wait3A_176] : memref<32x100000xf32, #tpu.memory_space<hbm>> -> memref<1x100000xf32, #tpu.memory_space<hbm>>
    %dma_wait3A_178 = tpu.memref_squeeze %dma_wait3A_177 : memref<1x100000xf32, #tpu.memory_space<hbm>> -> memref<100000xf32, #tpu.memory_space<hbm>>
    %dma_wait3A_179 = arith.constant 0 : i32
    %dma_wait3A_180 = tpu.memref_slice %dma_wait3A_178[%dma_wait3A_179] : memref<100000xf32, #tpu.memory_space<hbm>> -> memref<100000xf32, #tpu.memory_space<hbm>>
    tpu.wait_indirect_dma semaphore(%arg7 : memref<!tpu.dma_semaphore, #tpu.memory_space<semaphore_mem>>) src(%dma_wait3A_180 : memref<100000xf32, #tpu.memory_space<hbm>>) dst(%dma_wait3A_175 : memref<32xf32, #tpu.memory_space<vmem>>)
    %dma_wait3A_181 = arith.constant 2 : i32
    %dma_wait3A_182 = arith.constant 2 : i32
    %dma_wait3A_183 = arith.constant 0 : i32
    %dma_wait3A_184 = tpu.memref_slice %arg6[%dma_wait3A_182, %dma_wait3A_183] : memref<32x32xf32, #tpu.memory_space<vmem>> -> memref<1x32xf32, #tpu.memory_space<vmem>>
    %dma_wait3A_185 = tpu.memref_squeeze %dma_wait3A_184 : memref<1x32xf32, #tpu.memory_space<vmem>> -> memref<32xf32, #tpu.memory_space<vmem>>
    %dma_wait3A_186 = arith.constant 0 : i32
    %dma_wait3A_187 = tpu.memref_slice %arg3[%dma_wait3A_181, %dma_wait3A_186] : memref<32x100000xf32, #tpu.memory_space<hbm>> -> memref<1x100000xf32, #tpu.memory_space<hbm>>
    %dma_wait3A_188 = tpu.memref_squeeze %dma_wait3A_187 : memref<1x100000xf32, #tpu.memory_space<hbm>> -> memref<100000xf32, #tpu.memory_space<hbm>>
    %dma_wait3A_189 = arith.constant 0 : i32
    %dma_wait3A_190 = tpu.memref_slice %dma_wait3A_188[%dma_wait3A_189] : memref<100000xf32, #tpu.memory_space<hbm>> -> memref<100000xf32, #tpu.memory_space<hbm>>
    tpu.wait_indirect_dma semaphore(%arg7 : memref<!tpu.dma_semaphore, #tpu.memory_space<semaphore_mem>>) src(%dma_wait3A_190 : memref<100000xf32, #tpu.memory_space<hbm>>) dst(%dma_wait3A_185 : memref<32xf32, #tpu.memory_space<vmem>>)
    %dma_wait3A_191 = arith.constant 3 : i32
    %dma_wait3A_192 = arith.constant 3 : i32
    %dma_wait3A_193 = arith.constant 0 : i32
    %dma_wait3A_194 = tpu.memref_slice %arg6[%dma_wait3A_192, %dma_wait3A_193] : memref<32x32xf32, #tpu.memory_space<vmem>> -> memref<1x32xf32, #tpu.memory_space<vmem>>
    %dma_wait3A_195 = tpu.memref_squeeze %dma_wait3A_194 : memref<1x32xf32, #tpu.memory_space<vmem>> -> memref<32xf32, #tpu.memory_space<vmem>>
    %dma_wait3A_196 = arith.constant 0 : i32
    %dma_wait3A_197 = tpu.memref_slice %arg3[%dma_wait3A_191, %dma_wait3A_196] : memref<32x100000xf32, #tpu.memory_space<hbm>> -> memref<1x100000xf32, #tpu.memory_space<hbm>>
    %dma_wait3A_198 = tpu.memref_squeeze %dma_wait3A_197 : memref<1x100000xf32, #tpu.memory_space<hbm>> -> memref<100000xf32, #tpu.memory_space<hbm>>
    %dma_wait3A_199 = arith.constant 0 : i32
    %dma_wait3A_200 = tpu.memref_slice %dma_wait3A_198[%dma_wait3A_199] : memref<100000xf32, #tpu.memory_space<hbm>> -> memref<100000xf32, #tpu.memory_space<hbm>>
    tpu.wait_indirect_dma semaphore(%arg7 : memref<!tpu.dma_semaphore, #tpu.memory_space<semaphore_mem>>) src(%dma_wait3A_200 : memref<100000xf32, #tpu.memory_space<hbm>>) dst(%dma_wait3A_195 : memref<32xf32, #tpu.memory_space<vmem>>)
    %dma_wait3A_201 = arith.constant 4 : i32
    %dma_wait3A_202 = arith.constant 4 : i32
    %dma_wait3A_203 = arith.constant 0 : i32
    %dma_wait3A_204 = tpu.memref_slice %arg6[%dma_wait3A_202, %dma_wait3A_203] : memref<32x32xf32, #tpu.memory_space<vmem>> -> memref<1x32xf32, #tpu.memory_space<vmem>>
    %dma_wait3A_205 = tpu.memref_squeeze %dma_wait3A_204 : memref<1x32xf32, #tpu.memory_space<vmem>> -> memref<32xf32, #tpu.memory_space<vmem>>
    %dma_wait3A_206 = arith.constant 0 : i32
    %dma_wait3A_207 = tpu.memref_slice %arg3[%dma_wait3A_201, %dma_wait3A_206] : memref<32x100000xf32, #tpu.memory_space<hbm>> -> memref<1x100000xf32, #tpu.memory_space<hbm>>
    %dma_wait3A_208 = tpu.memref_squeeze %dma_wait3A_207 : memref<1x100000xf32, #tpu.memory_space<hbm>> -> memref<100000xf32, #tpu.memory_space<hbm>>
    %dma_wait3A_209 = arith.constant 0 : i32
    %dma_wait3A_210 = tpu.memref_slice %dma_wait3A_208[%dma_wait3A_209] : memref<100000xf32, #tpu.memory_space<hbm>> -> memref<100000xf32, #tpu.memory_space<hbm>>
    tpu.wait_indirect_dma semaphore(%arg7 : memref<!tpu.dma_semaphore, #tpu.memory_space<semaphore_mem>>) src(%dma_wait3A_210 : memref<100000xf32, #tpu.memory_space<hbm>>) dst(%dma_wait3A_205 : memref<32xf32, #tpu.memory_space<vmem>>)
    %dma_wait3A_211 = arith.constant 5 : i32
    %dma_wait3A_212 = arith.constant 5 : i32
    %dma_wait3A_213 = arith.constant 0 : i32
    %dma_wait3A_214 = tpu.memref_slice %arg6[%dma_wait3A_212, %dma_wait3A_213] : memref<32x32xf32, #tpu.memory_space<vmem>> -> memref<1x32xf32, #tpu.memory_space<vmem>>
    %dma_wait3A_215 = tpu.memref_squeeze %dma_wait3A_214 : memref<1x32xf32, #tpu.memory_space<vmem>> -> memref<32xf32, #tpu.memory_space<vmem>>
    %dma_wait3A_216 = arith.constant 0 : i32
    %dma_wait3A_217 = tpu.memref_slice %arg3[%dma_wait3A_211, %dma_wait3A_216] : memref<32x100000xf32, #tpu.memory_space<hbm>> -> memref<1x100000xf32, #tpu.memory_space<hbm>>
    %dma_wait3A_218 = tpu.memref_squeeze %dma_wait3A_217 : memref<1x100000xf32, #tpu.memory_space<hbm>> -> memref<100000xf32, #tpu.memory_space<hbm>>
    %dma_wait3A_219 = arith.constant 0 : i32
    %dma_wait3A_220 = tpu.memref_slice %dma_wait3A_218[%dma_wait3A_219] : memref<100000xf32, #tpu.memory_space<hbm>> -> memref<100000xf32, #tpu.memory_space<hbm>>
    tpu.wait_indirect_dma semaphore(%arg7 : memref<!tpu.dma_semaphore, #tpu.memory_space<semaphore_mem>>) src(%dma_wait3A_220 : memref<100000xf32, #tpu.memory_space<hbm>>) dst(%dma_wait3A_215 : memref<32xf32, #tpu.memory_space<vmem>>)
    %dma_wait3A_221 = arith.constant 6 : i32
    %dma_wait3A_222 = arith.constant 6 : i32
    %dma_wait3A_223 = arith.constant 0 : i32
    %dma_wait3A_224 = tpu.memref_slice %arg6[%dma_wait3A_222, %dma_wait3A_223] : memref<32x32xf32, #tpu.memory_space<vmem>> -> memref<1x32xf32, #tpu.memory_space<vmem>>
    %dma_wait3A_225 = tpu.memref_squeeze %dma_wait3A_224 : memref<1x32xf32, #tpu.memory_space<vmem>> -> memref<32xf32, #tpu.memory_space<vmem>>
    %dma_wait3A_226 = arith.constant 0 : i32
    %dma_wait3A_227 = tpu.memref_slice %arg3[%dma_wait3A_221, %dma_wait3A_226] : memref<32x100000xf32, #tpu.memory_space<hbm>> -> memref<1x100000xf32, #tpu.memory_space<hbm>>
    %dma_wait3A_228 = tpu.memref_squeeze %dma_wait3A_227 : memref<1x100000xf32, #tpu.memory_space<hbm>> -> memref<100000xf32, #tpu.memory_space<hbm>>
    %dma_wait3A_229 = arith.constant 0 : i32
    %dma_wait3A_230 = tpu.memref_slice %dma_wait3A_228[%dma_wait3A_229] : memref<100000xf32, #tpu.memory_space<hbm>> -> memref<100000xf32, #tpu.memory_space<hbm>>
    tpu.wait_indirect_dma semaphore(%arg7 : memref<!tpu.dma_semaphore, #tpu.memory_space<semaphore_mem>>) src(%dma_wait3A_230 : memref<100000xf32, #tpu.memory_space<hbm>>) dst(%dma_wait3A_225 : memref<32xf32, #tpu.memory_space<vmem>>)
    %dma_wait3A_231 = arith.constant 7 : i32
    %dma_wait3A_232 = arith.constant 7 : i32
    %dma_wait3A_233 = arith.constant 0 : i32
    %dma_wait3A_234 = tpu.memref_slice %arg6[%dma_wait3A_232, %dma_wait3A_233] : memref<32x32xf32, #tpu.memory_space<vmem>> -> memref<1x32xf32, #tpu.memory_space<vmem>>
    %dma_wait3A_235 = tpu.memref_squeeze %dma_wait3A_234 : memref<1x32xf32, #tpu.memory_space<vmem>> -> memref<32xf32, #tpu.memory_space<vmem>>
    %dma_wait3A_236 = arith.constant 0 : i32
    %dma_wait3A_237 = tpu.memref_slice %arg3[%dma_wait3A_231, %dma_wait3A_236] : memref<32x100000xf32, #tpu.memory_space<hbm>> -> memref<1x100000xf32, #tpu.memory_space<hbm>>
    %dma_wait3A_238 = tpu.memref_squeeze %dma_wait3A_237 : memref<1x100000xf32, #tpu.memory_space<hbm>> -> memref<100000xf32, #tpu.memory_space<hbm>>
    %dma_wait3A_239 = arith.constant 0 : i32
    %dma_wait3A_240 = tpu.memref_slice %dma_wait3A_238[%dma_wait3A_239] : memref<100000xf32, #tpu.memory_space<hbm>> -> memref<100000xf32, #tpu.memory_space<hbm>>
    tpu.wait_indirect_dma semaphore(%arg7 : memref<!tpu.dma_semaphore, #tpu.memory_space<semaphore_mem>>) src(%dma_wait3A_240 : memref<100000xf32, #tpu.memory_space<hbm>>) dst(%dma_wait3A_235 : memref<32xf32, #tpu.memory_space<vmem>>)
    %dma_wait3A_241 = arith.constant 8 : i32
    %dma_wait3A_242 = arith.constant 8 : i32
    %dma_wait3A_243 = arith.constant 0 : i32
    %dma_wait3A_244 = tpu.memref_slice %arg6[%dma_wait3A_242, %dma_wait3A_243] : memref<32x32xf32, #tpu.memory_space<vmem>> -> memref<1x32xf32, #tpu.memory_space<vmem>>
    %dma_wait3A_245 = tpu.memref_squeeze %dma_wait3A_244 : memref<1x32xf32, #tpu.memory_space<vmem>> -> memref<32xf32, #tpu.memory_space<vmem>>
    %dma_wait3A_246 = arith.constant 0 : i32
    %dma_wait3A_247 = tpu.memref_slice %arg3[%dma_wait3A_241, %dma_wait3A_246] : memref<32x100000xf32, #tpu.memory_space<hbm>> -> memref<1x100000xf32, #tpu.memory_space<hbm>>
    %dma_wait3A_248 = tpu.memref_squeeze %dma_wait3A_247 : memref<1x100000xf32, #tpu.memory_space<hbm>> -> memref<100000xf32, #tpu.memory_space<hbm>>
    %dma_wait3A_249 = arith.constant 0 : i32
    %dma_wait3A_250 = tpu.memref_slice %dma_wait3A_248[%dma_wait3A_249] : memref<100000xf32, #tpu.memory_space<hbm>> -> memref<100000xf32, #tpu.memory_space<hbm>>
    tpu.wait_indirect_dma semaphore(%arg7 : memref<!tpu.dma_semaphore, #tpu.memory_space<semaphore_mem>>) src(%dma_wait3A_250 : memref<100000xf32, #tpu.memory_space<hbm>>) dst(%dma_wait3A_245 : memref<32xf32, #tpu.memory_space<vmem>>)
    %dma_wait3A_251 = arith.constant 9 : i32
    %dma_wait3A_252 = arith.constant 9 : i32
    %dma_wait3A_253 = arith.constant 0 : i32
    %dma_wait3A_254 = tpu.memref_slice %arg6[%dma_wait3A_252, %dma_wait3A_253] : memref<32x32xf32, #tpu.memory_space<vmem>> -> memref<1x32xf32, #tpu.memory_space<vmem>>
    %dma_wait3A_255 = tpu.memref_squeeze %dma_wait3A_254 : memref<1x32xf32, #tpu.memory_space<vmem>> -> memref<32xf32, #tpu.memory_space<vmem>>
    %dma_wait3A_256 = arith.constant 0 : i32
    %dma_wait3A_257 = tpu.memref_slice %arg3[%dma_wait3A_251, %dma_wait3A_256] : memref<32x100000xf32, #tpu.memory_space<hbm>> -> memref<1x100000xf32, #tpu.memory_space<hbm>>
    %dma_wait3A_258 = tpu.memref_squeeze %dma_wait3A_257 : memref<1x100000xf32, #tpu.memory_space<hbm>> -> memref<100000xf32, #tpu.memory_space<hbm>>
    %dma_wait3A_259 = arith.constant 0 : i32
    %dma_wait3A_260 = tpu.memref_slice %dma_wait3A_258[%dma_wait3A_259] : memref<100000xf32, #tpu.memory_space<hbm>> -> memref<100000xf32, #tpu.memory_space<hbm>>
    tpu.wait_indirect_dma semaphore(%arg7 : memref<!tpu.dma_semaphore, #tpu.memory_space<semaphore_mem>>) src(%dma_wait3A_260 : memref<100000xf32, #tpu.memory_space<hbm>>) dst(%dma_wait3A_255 : memref<32xf32, #tpu.memory_space<vmem>>)
    %dma_wait3A_261 = arith.constant 10 : i32
    %dma_wait3A_262 = arith.constant 10 : i32
    %dma_wait3A_263 = arith.constant 0 : i32
    %dma_wait3A_264 = tpu.memref_slice %arg6[%dma_wait3A_262, %dma_wait3A_263] : memref<32x32xf32, #tpu.memory_space<vmem>> -> memref<1x32xf32, #tpu.memory_space<vmem>>
    %dma_wait3A_265 = tpu.memref_squeeze %dma_wait3A_264 : memref<1x32xf32, #tpu.memory_space<vmem>> -> memref<32xf32, #tpu.memory_space<vmem>>
    %dma_wait3A_266 = arith.constant 0 : i32
    %dma_wait3A_267 = tpu.memref_slice %arg3[%dma_wait3A_261, %dma_wait3A_266] : memref<32x100000xf32, #tpu.memory_space<hbm>> -> memref<1x100000xf32, #tpu.memory_space<hbm>>
    %dma_wait3A_268 = tpu.memref_squeeze %dma_wait3A_267 : memref<1x100000xf32, #tpu.memory_space<hbm>> -> memref<100000xf32, #tpu.memory_space<hbm>>
    %dma_wait3A_269 = arith.constant 0 : i32
    %dma_wait3A_270 = tpu.memref_slice %dma_wait3A_268[%dma_wait3A_269] : memref<100000xf32, #tpu.memory_space<hbm>> -> memref<100000xf32, #tpu.memory_space<hbm>>
    tpu.wait_indirect_dma semaphore(%arg7 : memref<!tpu.dma_semaphore, #tpu.memory_space<semaphore_mem>>) src(%dma_wait3A_270 : memref<100000xf32, #tpu.memory_space<hbm>>) dst(%dma_wait3A_265 : memref<32xf32, #tpu.memory_space<vmem>>)
    %dma_wait3A_271 = arith.constant 11 : i32
    %dma_wait3A_272 = arith.constant 11 : i32
    %dma_wait3A_273 = arith.constant 0 : i32
    %dma_wait3A_274 = tpu.memref_slice %arg6[%dma_wait3A_272, %dma_wait3A_273] : memref<32x32xf32, #tpu.memory_space<vmem>> -> memref<1x32xf32, #tpu.memory_space<vmem>>
    %dma_wait3A_275 = tpu.memref_squeeze %dma_wait3A_274 : memref<1x32xf32, #tpu.memory_space<vmem>> -> memref<32xf32, #tpu.memory_space<vmem>>
    %dma_wait3A_276 = arith.constant 0 : i32
    %dma_wait3A_277 = tpu.memref_slice %arg3[%dma_wait3A_271, %dma_wait3A_276] : memref<32x100000xf32, #tpu.memory_space<hbm>> -> memref<1x100000xf32, #tpu.memory_space<hbm>>
    %dma_wait3A_278 = tpu.memref_squeeze %dma_wait3A_277 : memref<1x100000xf32, #tpu.memory_space<hbm>> -> memref<100000xf32, #tpu.memory_space<hbm>>
    %dma_wait3A_279 = arith.constant 0 : i32
    %dma_wait3A_280 = tpu.memref_slice %dma_wait3A_278[%dma_wait3A_279] : memref<100000xf32, #tpu.memory_space<hbm>> -> memref<100000xf32, #tpu.memory_space<hbm>>
    tpu.wait_indirect_dma semaphore(%arg7 : memref<!tpu.dma_semaphore, #tpu.memory_space<semaphore_mem>>) src(%dma_wait3A_280 : memref<100000xf32, #tpu.memory_space<hbm>>) dst(%dma_wait3A_275 : memref<32xf32, #tpu.memory_space<vmem>>)
    %dma_wait3A_281 = arith.constant 12 : i32
    %dma_wait3A_282 = arith.constant 12 : i32
    %dma_wait3A_283 = arith.constant 0 : i32
    %dma_wait3A_284 = tpu.memref_slice %arg6[%dma_wait3A_282, %dma_wait3A_283] : memref<32x32xf32, #tpu.memory_space<vmem>> -> memref<1x32xf32, #tpu.memory_space<vmem>>
    %dma_wait3A_285 = tpu.memref_squeeze %dma_wait3A_284 : memref<1x32xf32, #tpu.memory_space<vmem>> -> memref<32xf32, #tpu.memory_space<vmem>>
    %dma_wait3A_286 = arith.constant 0 : i32
    %dma_wait3A_287 = tpu.memref_slice %arg3[%dma_wait3A_281, %dma_wait3A_286] : memref<32x100000xf32, #tpu.memory_space<hbm>> -> memref<1x100000xf32, #tpu.memory_space<hbm>>
    %dma_wait3A_288 = tpu.memref_squeeze %dma_wait3A_287 : memref<1x100000xf32, #tpu.memory_space<hbm>> -> memref<100000xf32, #tpu.memory_space<hbm>>
    %dma_wait3A_289 = arith.constant 0 : i32
    %dma_wait3A_290 = tpu.memref_slice %dma_wait3A_288[%dma_wait3A_289] : memref<100000xf32, #tpu.memory_space<hbm>> -> memref<100000xf32, #tpu.memory_space<hbm>>
    tpu.wait_indirect_dma semaphore(%arg7 : memref<!tpu.dma_semaphore, #tpu.memory_space<semaphore_mem>>) src(%dma_wait3A_290 : memref<100000xf32, #tpu.memory_space<hbm>>) dst(%dma_wait3A_285 : memref<32xf32, #tpu.memory_space<vmem>>)
    %dma_wait3A_291 = arith.constant 13 : i32
    %dma_wait3A_292 = arith.constant 13 : i32
    %dma_wait3A_293 = arith.constant 0 : i32
    %dma_wait3A_294 = tpu.memref_slice %arg6[%dma_wait3A_292, %dma_wait3A_293] : memref<32x32xf32, #tpu.memory_space<vmem>> -> memref<1x32xf32, #tpu.memory_space<vmem>>
    %dma_wait3A_295 = tpu.memref_squeeze %dma_wait3A_294 : memref<1x32xf32, #tpu.memory_space<vmem>> -> memref<32xf32, #tpu.memory_space<vmem>>
    %dma_wait3A_296 = arith.constant 0 : i32
    %dma_wait3A_297 = tpu.memref_slice %arg3[%dma_wait3A_291, %dma_wait3A_296] : memref<32x100000xf32, #tpu.memory_space<hbm>> -> memref<1x100000xf32, #tpu.memory_space<hbm>>
    %dma_wait3A_298 = tpu.memref_squeeze %dma_wait3A_297 : memref<1x100000xf32, #tpu.memory_space<hbm>> -> memref<100000xf32, #tpu.memory_space<hbm>>
    %dma_wait3A_299 = arith.constant 0 : i32
    %dma_wait3A_300 = tpu.memref_slice %dma_wait3A_298[%dma_wait3A_299] : memref<100000xf32, #tpu.memory_space<hbm>> -> memref<100000xf32, #tpu.memory_space<hbm>>
    tpu.wait_indirect_dma semaphore(%arg7 : memref<!tpu.dma_semaphore, #tpu.memory_space<semaphore_mem>>) src(%dma_wait3A_300 : memref<100000xf32, #tpu.memory_space<hbm>>) dst(%dma_wait3A_295 : memref<32xf32, #tpu.memory_space<vmem>>)
    %dma_wait3A_301 = arith.constant 14 : i32
    %dma_wait3A_302 = arith.constant 14 : i32
    %dma_wait3A_303 = arith.constant 0 : i32
    %dma_wait3A_304 = tpu.memref_slice %arg6[%dma_wait3A_302, %dma_wait3A_303] : memref<32x32xf32, #tpu.memory_space<vmem>> -> memref<1x32xf32, #tpu.memory_space<vmem>>
    %dma_wait3A_305 = tpu.memref_squeeze %dma_wait3A_304 : memref<1x32xf32, #tpu.memory_space<vmem>> -> memref<32xf32, #tpu.memory_space<vmem>>
    %dma_wait3A_306 = arith.constant 0 : i32
    %dma_wait3A_307 = tpu.memref_slice %arg3[%dma_wait3A_301, %dma_wait3A_306] : memref<32x100000xf32, #tpu.memory_space<hbm>> -> memref<1x100000xf32, #tpu.memory_space<hbm>>
    %dma_wait3A_308 = tpu.memref_squeeze %dma_wait3A_307 : memref<1x100000xf32, #tpu.memory_space<hbm>> -> memref<100000xf32, #tpu.memory_space<hbm>>
    %dma_wait3A_309 = arith.constant 0 : i32
    %dma_wait3A_310 = tpu.memref_slice %dma_wait3A_308[%dma_wait3A_309] : memref<100000xf32, #tpu.memory_space<hbm>> -> memref<100000xf32, #tpu.memory_space<hbm>>
    tpu.wait_indirect_dma semaphore(%arg7 : memref<!tpu.dma_semaphore, #tpu.memory_space<semaphore_mem>>) src(%dma_wait3A_310 : memref<100000xf32, #tpu.memory_space<hbm>>) dst(%dma_wait3A_305 : memref<32xf32, #tpu.memory_space<vmem>>)
    %dma_wait3A_311 = arith.constant 15 : i32
    %dma_wait3A_312 = arith.constant 15 : i32
    %dma_wait3A_313 = arith.constant 0 : i32
    %dma_wait3A_314 = tpu.memref_slice %arg6[%dma_wait3A_312, %dma_wait3A_313] : memref<32x32xf32, #tpu.memory_space<vmem>> -> memref<1x32xf32, #tpu.memory_space<vmem>>
    %dma_wait3A_315 = tpu.memref_squeeze %dma_wait3A_314 : memref<1x32xf32, #tpu.memory_space<vmem>> -> memref<32xf32, #tpu.memory_space<vmem>>
    %dma_wait3A_316 = arith.constant 0 : i32
    %dma_wait3A_317 = tpu.memref_slice %arg3[%dma_wait3A_311, %dma_wait3A_316] : memref<32x100000xf32, #tpu.memory_space<hbm>> -> memref<1x100000xf32, #tpu.memory_space<hbm>>
    %dma_wait3A_318 = tpu.memref_squeeze %dma_wait3A_317 : memref<1x100000xf32, #tpu.memory_space<hbm>> -> memref<100000xf32, #tpu.memory_space<hbm>>
    %dma_wait3A_319 = arith.constant 0 : i32
    %dma_wait3A_320 = tpu.memref_slice %dma_wait3A_318[%dma_wait3A_319] : memref<100000xf32, #tpu.memory_space<hbm>> -> memref<100000xf32, #tpu.memory_space<hbm>>
    tpu.wait_indirect_dma semaphore(%arg7 : memref<!tpu.dma_semaphore, #tpu.memory_space<semaphore_mem>>) src(%dma_wait3A_320 : memref<100000xf32, #tpu.memory_space<hbm>>) dst(%dma_wait3A_315 : memref<32xf32, #tpu.memory_space<vmem>>)
    %dma_start3A_321 = arith.constant 16 : i32
    %dma_start3A_322 = arith.constant 16 : i32
    %dma_start3A_323 = arith.constant 0 : i32
    %dma_start3A_324 = tpu.memref_slice %arg6[%dma_start3A_322, %dma_start3A_323] : memref<32x32xf32, #tpu.memory_space<vmem>> -> memref<1x32xf32, #tpu.memory_space<vmem>>
    %dma_start3A_325 = tpu.memref_squeeze %dma_start3A_324 : memref<1x32xf32, #tpu.memory_space<vmem>> -> memref<32xf32, #tpu.memory_space<vmem>>
    %dma_start3A_326 = arith.constant 0 : i32
    %dma_start3A_327 = tpu.memref_slice %arg3[%dma_start3A_321, %dma_start3A_326] : memref<32x100000xf32, #tpu.memory_space<hbm>> -> memref<1x100000xf32, #tpu.memory_space<hbm>>
    %dma_start3A_328 = tpu.memref_squeeze %dma_start3A_327 : memref<1x100000xf32, #tpu.memory_space<hbm>> -> memref<100000xf32, #tpu.memory_space<hbm>>
    %dma_start3A_329 = arith.constant 0 : i32
    %dma_start3A_330 = tpu.memref_slice %dma_start3A_328[%dma_start3A_329] : memref<100000xf32, #tpu.memory_space<hbm>> -> memref<100000xf32, #tpu.memory_space<hbm>>
    tpu.enqueue_indirect_dma source(%dma_start3A_330 : memref<100000xf32, #tpu.memory_space<hbm>>) target(%dma_start3A_325 : memref<32xf32, #tpu.memory_space<vmem>>) offsets(%arg5 : memref<32xi32, #tpu.memory_space<vmem>>) semaphore(%arg7 : memref<!tpu.dma_semaphore, #tpu.memory_space<semaphore_mem>>)
    %dma_start3A_331 = arith.constant 17 : i32
    %dma_start3A_332 = arith.constant 17 : i32
    %dma_start3A_333 = arith.constant 0 : i32
    %dma_start3A_334 = tpu.memref_slice %arg6[%dma_start3A_332, %dma_start3A_333] : memref<32x32xf32, #tpu.memory_space<vmem>> -> memref<1x32xf32, #tpu.memory_space<vmem>>
    %dma_start3A_335 = tpu.memref_squeeze %dma_start3A_334 : memref<1x32xf32, #tpu.memory_space<vmem>> -> memref<32xf32, #tpu.memory_space<vmem>>
    %dma_start3A_336 = arith.constant 0 : i32
    %dma_start3A_337 = tpu.memref_slice %arg3[%dma_start3A_331, %dma_start3A_336] : memref<32x100000xf32, #tpu.memory_space<hbm>> -> memref<1x100000xf32, #tpu.memory_space<hbm>>
    %dma_start3A_338 = tpu.memref_squeeze %dma_start3A_337 : memref<1x100000xf32, #tpu.memory_space<hbm>> -> memref<100000xf32, #tpu.memory_space<hbm>>
    %dma_start3A_339 = arith.constant 0 : i32
    %dma_start3A_340 = tpu.memref_slice %dma_start3A_338[%dma_start3A_339] : memref<100000xf32, #tpu.memory_space<hbm>> -> memref<100000xf32, #tpu.memory_space<hbm>>
    tpu.enqueue_indirect_dma source(%dma_start3A_340 : memref<100000xf32, #tpu.memory_space<hbm>>) target(%dma_start3A_335 : memref<32xf32, #tpu.memory_space<vmem>>) offsets(%arg5 : memref<32xi32, #tpu.memory_space<vmem>>) semaphore(%arg7 : memref<!tpu.dma_semaphore, #tpu.memory_space<semaphore_mem>>)
    %dma_start3A_341 = arith.constant 18 : i32
    %dma_start3A_342 = arith.constant 18 : i32
    %dma_start3A_343 = arith.constant 0 : i32
    %dma_start3A_344 = tpu.memref_slice %arg6[%dma_start3A_342, %dma_start3A_343] : memref<32x32xf32, #tpu.memory_space<vmem>> -> memref<1x32xf32, #tpu.memory_space<vmem>>
    %dma_start3A_345 = tpu.memref_squeeze %dma_start3A_344 : memref<1x32xf32, #tpu.memory_space<vmem>> -> memref<32xf32, #tpu.memory_space<vmem>>
    %dma_start3A_346 = arith.constant 0 : i32
    %dma_start3A_347 = tpu.memref_slice %arg3[%dma_start3A_341, %dma_start3A_346] : memref<32x100000xf32, #tpu.memory_space<hbm>> -> memref<1x100000xf32, #tpu.memory_space<hbm>>
    %dma_start3A_348 = tpu.memref_squeeze %dma_start3A_347 : memref<1x100000xf32, #tpu.memory_space<hbm>> -> memref<100000xf32, #tpu.memory_space<hbm>>
    %dma_start3A_349 = arith.constant 0 : i32
    %dma_start3A_350 = tpu.memref_slice %dma_start3A_348[%dma_start3A_349] : memref<100000xf32, #tpu.memory_space<hbm>> -> memref<100000xf32, #tpu.memory_space<hbm>>
    tpu.enqueue_indirect_dma source(%dma_start3A_350 : memref<100000xf32, #tpu.memory_space<hbm>>) target(%dma_start3A_345 : memref<32xf32, #tpu.memory_space<vmem>>) offsets(%arg5 : memref<32xi32, #tpu.memory_space<vmem>>) semaphore(%arg7 : memref<!tpu.dma_semaphore, #tpu.memory_space<semaphore_mem>>)
    %dma_start3A_351 = arith.constant 19 : i32
    %dma_start3A_352 = arith.constant 19 : i32
    %dma_start3A_353 = arith.constant 0 : i32
    %dma_start3A_354 = tpu.memref_slice %arg6[%dma_start3A_352, %dma_start3A_353] : memref<32x32xf32, #tpu.memory_space<vmem>> -> memref<1x32xf32, #tpu.memory_space<vmem>>
    %dma_start3A_355 = tpu.memref_squeeze %dma_start3A_354 : memref<1x32xf32, #tpu.memory_space<vmem>> -> memref<32xf32, #tpu.memory_space<vmem>>
    %dma_start3A_356 = arith.constant 0 : i32
    %dma_start3A_357 = tpu.memref_slice %arg3[%dma_start3A_351, %dma_start3A_356] : memref<32x100000xf32, #tpu.memory_space<hbm>> -> memref<1x100000xf32, #tpu.memory_space<hbm>>
    %dma_start3A_358 = tpu.memref_squeeze %dma_start3A_357 : memref<1x100000xf32, #tpu.memory_space<hbm>> -> memref<100000xf32, #tpu.memory_space<hbm>>
    %dma_start3A_359 = arith.constant 0 : i32
    %dma_start3A_360 = tpu.memref_slice %dma_start3A_358[%dma_start3A_359] : memref<100000xf32, #tpu.memory_space<hbm>> -> memref<100000xf32, #tpu.memory_space<hbm>>
    tpu.enqueue_indirect_dma source(%dma_start3A_360 : memref<100000xf32, #tpu.memory_space<hbm>>) target(%dma_start3A_355 : memref<32xf32, #tpu.memory_space<vmem>>) offsets(%arg5 : memref<32xi32, #tpu.memory_space<vmem>>) semaphore(%arg7 : memref<!tpu.dma_semaphore, #tpu.memory_space<semaphore_mem>>)
    %dma_start3A_361 = arith.constant 20 : i32
    %dma_start3A_362 = arith.constant 20 : i32
    %dma_start3A_363 = arith.constant 0 : i32
    %dma_start3A_364 = tpu.memref_slice %arg6[%dma_start3A_362, %dma_start3A_363] : memref<32x32xf32, #tpu.memory_space<vmem>> -> memref<1x32xf32, #tpu.memory_space<vmem>>
    %dma_start3A_365 = tpu.memref_squeeze %dma_start3A_364 : memref<1x32xf32, #tpu.memory_space<vmem>> -> memref<32xf32, #tpu.memory_space<vmem>>
    %dma_start3A_366 = arith.constant 0 : i32
    %dma_start3A_367 = tpu.memref_slice %arg3[%dma_start3A_361, %dma_start3A_366] : memref<32x100000xf32, #tpu.memory_space<hbm>> -> memref<1x100000xf32, #tpu.memory_space<hbm>>
    %dma_start3A_368 = tpu.memref_squeeze %dma_start3A_367 : memref<1x100000xf32, #tpu.memory_space<hbm>> -> memref<100000xf32, #tpu.memory_space<hbm>>
    %dma_start3A_369 = arith.constant 0 : i32
    %dma_start3A_370 = tpu.memref_slice %dma_start3A_368[%dma_start3A_369] : memref<100000xf32, #tpu.memory_space<hbm>> -> memref<100000xf32, #tpu.memory_space<hbm>>
    tpu.enqueue_indirect_dma source(%dma_start3A_370 : memref<100000xf32, #tpu.memory_space<hbm>>) target(%dma_start3A_365 : memref<32xf32, #tpu.memory_space<vmem>>) offsets(%arg5 : memref<32xi32, #tpu.memory_space<vmem>>) semaphore(%arg7 : memref<!tpu.dma_semaphore, #tpu.memory_space<semaphore_mem>>)
    %dma_start3A_371 = arith.constant 21 : i32
    %dma_start3A_372 = arith.constant 21 : i32
    %dma_start3A_373 = arith.constant 0 : i32
    %dma_start3A_374 = tpu.memref_slice %arg6[%dma_start3A_372, %dma_start3A_373] : memref<32x32xf32, #tpu.memory_space<vmem>> -> memref<1x32xf32, #tpu.memory_space<vmem>>
    %dma_start3A_375 = tpu.memref_squeeze %dma_start3A_374 : memref<1x32xf32, #tpu.memory_space<vmem>> -> memref<32xf32, #tpu.memory_space<vmem>>
    %dma_start3A_376 = arith.constant 0 : i32
    %dma_start3A_377 = tpu.memref_slice %arg3[%dma_start3A_371, %dma_start3A_376] : memref<32x100000xf32, #tpu.memory_space<hbm>> -> memref<1x100000xf32, #tpu.memory_space<hbm>>
    %dma_start3A_378 = tpu.memref_squeeze %dma_start3A_377 : memref<1x100000xf32, #tpu.memory_space<hbm>> -> memref<100000xf32, #tpu.memory_space<hbm>>
    %dma_start3A_379 = arith.constant 0 : i32
    %dma_start3A_380 = tpu.memref_slice %dma_start3A_378[%dma_start3A_379] : memref<100000xf32, #tpu.memory_space<hbm>> -> memref<100000xf32, #tpu.memory_space<hbm>>
    tpu.enqueue_indirect_dma source(%dma_start3A_380 : memref<100000xf32, #tpu.memory_space<hbm>>) target(%dma_start3A_375 : memref<32xf32, #tpu.memory_space<vmem>>) offsets(%arg5 : memref<32xi32, #tpu.memory_space<vmem>>) semaphore(%arg7 : memref<!tpu.dma_semaphore, #tpu.memory_space<semaphore_mem>>)
    %dma_start3A_381 = arith.constant 22 : i32
    %dma_start3A_382 = arith.constant 22 : i32
    %dma_start3A_383 = arith.constant 0 : i32
    %dma_start3A_384 = tpu.memref_slice %arg6[%dma_start3A_382, %dma_start3A_383] : memref<32x32xf32, #tpu.memory_space<vmem>> -> memref<1x32xf32, #tpu.memory_space<vmem>>
    %dma_start3A_385 = tpu.memref_squeeze %dma_start3A_384 : memref<1x32xf32, #tpu.memory_space<vmem>> -> memref<32xf32, #tpu.memory_space<vmem>>
    %dma_start3A_386 = arith.constant 0 : i32
    %dma_start3A_387 = tpu.memref_slice %arg3[%dma_start3A_381, %dma_start3A_386] : memref<32x100000xf32, #tpu.memory_space<hbm>> -> memref<1x100000xf32, #tpu.memory_space<hbm>>
    %dma_start3A_388 = tpu.memref_squeeze %dma_start3A_387 : memref<1x100000xf32, #tpu.memory_space<hbm>> -> memref<100000xf32, #tpu.memory_space<hbm>>
    %dma_start3A_389 = arith.constant 0 : i32
    %dma_start3A_390 = tpu.memref_slice %dma_start3A_388[%dma_start3A_389] : memref<100000xf32, #tpu.memory_space<hbm>> -> memref<100000xf32, #tpu.memory_space<hbm>>
    tpu.enqueue_indirect_dma source(%dma_start3A_390 : memref<100000xf32, #tpu.memory_space<hbm>>) target(%dma_start3A_385 : memref<32xf32, #tpu.memory_space<vmem>>) offsets(%arg5 : memref<32xi32, #tpu.memory_space<vmem>>) semaphore(%arg7 : memref<!tpu.dma_semaphore, #tpu.memory_space<semaphore_mem>>)
    %dma_start3A_391 = arith.constant 23 : i32
    %dma_start3A_392 = arith.constant 23 : i32
    %dma_start3A_393 = arith.constant 0 : i32
    %dma_start3A_394 = tpu.memref_slice %arg6[%dma_start3A_392, %dma_start3A_393] : memref<32x32xf32, #tpu.memory_space<vmem>> -> memref<1x32xf32, #tpu.memory_space<vmem>>
    %dma_start3A_395 = tpu.memref_squeeze %dma_start3A_394 : memref<1x32xf32, #tpu.memory_space<vmem>> -> memref<32xf32, #tpu.memory_space<vmem>>
    %dma_start3A_396 = arith.constant 0 : i32
    %dma_start3A_397 = tpu.memref_slice %arg3[%dma_start3A_391, %dma_start3A_396] : memref<32x100000xf32, #tpu.memory_space<hbm>> -> memref<1x100000xf32, #tpu.memory_space<hbm>>
    %dma_start3A_398 = tpu.memref_squeeze %dma_start3A_397 : memref<1x100000xf32, #tpu.memory_space<hbm>> -> memref<100000xf32, #tpu.memory_space<hbm>>
    %dma_start3A_399 = arith.constant 0 : i32
    %dma_start3A_400 = tpu.memref_slice %dma_start3A_398[%dma_start3A_399] : memref<100000xf32, #tpu.memory_space<hbm>> -> memref<100000xf32, #tpu.memory_space<hbm>>
    tpu.enqueue_indirect_dma source(%dma_start3A_400 : memref<100000xf32, #tpu.memory_space<hbm>>) target(%dma_start3A_395 : memref<32xf32, #tpu.memory_space<vmem>>) offsets(%arg5 : memref<32xi32, #tpu.memory_space<vmem>>) semaphore(%arg7 : memref<!tpu.dma_semaphore, #tpu.memory_space<semaphore_mem>>)
    %dma_start3A_401 = arith.constant 24 : i32
    %dma_start3A_402 = arith.constant 24 : i32
    %dma_start3A_403 = arith.constant 0 : i32
    %dma_start3A_404 = tpu.memref_slice %arg6[%dma_start3A_402, %dma_start3A_403] : memref<32x32xf32, #tpu.memory_space<vmem>> -> memref<1x32xf32, #tpu.memory_space<vmem>>
    %dma_start3A_405 = tpu.memref_squeeze %dma_start3A_404 : memref<1x32xf32, #tpu.memory_space<vmem>> -> memref<32xf32, #tpu.memory_space<vmem>>
    %dma_start3A_406 = arith.constant 0 : i32
    %dma_start3A_407 = tpu.memref_slice %arg3[%dma_start3A_401, %dma_start3A_406] : memref<32x100000xf32, #tpu.memory_space<hbm>> -> memref<1x100000xf32, #tpu.memory_space<hbm>>
    %dma_start3A_408 = tpu.memref_squeeze %dma_start3A_407 : memref<1x100000xf32, #tpu.memory_space<hbm>> -> memref<100000xf32, #tpu.memory_space<hbm>>
    %dma_start3A_409 = arith.constant 0 : i32
    %dma_start3A_410 = tpu.memref_slice %dma_start3A_408[%dma_start3A_409] : memref<100000xf32, #tpu.memory_space<hbm>> -> memref<100000xf32, #tpu.memory_space<hbm>>
    tpu.enqueue_indirect_dma source(%dma_start3A_410 : memref<100000xf32, #tpu.memory_space<hbm>>) target(%dma_start3A_405 : memref<32xf32, #tpu.memory_space<vmem>>) offsets(%arg5 : memref<32xi32, #tpu.memory_space<vmem>>) semaphore(%arg7 : memref<!tpu.dma_semaphore, #tpu.memory_space<semaphore_mem>>)
    %dma_start3A_411 = arith.constant 25 : i32
    %dma_start3A_412 = arith.constant 25 : i32
    %dma_start3A_413 = arith.constant 0 : i32
    %dma_start3A_414 = tpu.memref_slice %arg6[%dma_start3A_412, %dma_start3A_413] : memref<32x32xf32, #tpu.memory_space<vmem>> -> memref<1x32xf32, #tpu.memory_space<vmem>>
    %dma_start3A_415 = tpu.memref_squeeze %dma_start3A_414 : memref<1x32xf32, #tpu.memory_space<vmem>> -> memref<32xf32, #tpu.memory_space<vmem>>
    %dma_start3A_416 = arith.constant 0 : i32
    %dma_start3A_417 = tpu.memref_slice %arg3[%dma_start3A_411, %dma_start3A_416] : memref<32x100000xf32, #tpu.memory_space<hbm>> -> memref<1x100000xf32, #tpu.memory_space<hbm>>
    %dma_start3A_418 = tpu.memref_squeeze %dma_start3A_417 : memref<1x100000xf32, #tpu.memory_space<hbm>> -> memref<100000xf32, #tpu.memory_space<hbm>>
    %dma_start3A_419 = arith.constant 0 : i32
    %dma_start3A_420 = tpu.memref_slice %dma_start3A_418[%dma_start3A_419] : memref<100000xf32, #tpu.memory_space<hbm>> -> memref<100000xf32, #tpu.memory_space<hbm>>
    tpu.enqueue_indirect_dma source(%dma_start3A_420 : memref<100000xf32, #tpu.memory_space<hbm>>) target(%dma_start3A_415 : memref<32xf32, #tpu.memory_space<vmem>>) offsets(%arg5 : memref<32xi32, #tpu.memory_space<vmem>>) semaphore(%arg7 : memref<!tpu.dma_semaphore, #tpu.memory_space<semaphore_mem>>)
    %dma_start3A_421 = arith.constant 26 : i32
    %dma_start3A_422 = arith.constant 26 : i32
    %dma_start3A_423 = arith.constant 0 : i32
    %dma_start3A_424 = tpu.memref_slice %arg6[%dma_start3A_422, %dma_start3A_423] : memref<32x32xf32, #tpu.memory_space<vmem>> -> memref<1x32xf32, #tpu.memory_space<vmem>>
    %dma_start3A_425 = tpu.memref_squeeze %dma_start3A_424 : memref<1x32xf32, #tpu.memory_space<vmem>> -> memref<32xf32, #tpu.memory_space<vmem>>
    %dma_start3A_426 = arith.constant 0 : i32
    %dma_start3A_427 = tpu.memref_slice %arg3[%dma_start3A_421, %dma_start3A_426] : memref<32x100000xf32, #tpu.memory_space<hbm>> -> memref<1x100000xf32, #tpu.memory_space<hbm>>
    %dma_start3A_428 = tpu.memref_squeeze %dma_start3A_427 : memref<1x100000xf32, #tpu.memory_space<hbm>> -> memref<100000xf32, #tpu.memory_space<hbm>>
    %dma_start3A_429 = arith.constant 0 : i32
    %dma_start3A_430 = tpu.memref_slice %dma_start3A_428[%dma_start3A_429] : memref<100000xf32, #tpu.memory_space<hbm>> -> memref<100000xf32, #tpu.memory_space<hbm>>
    tpu.enqueue_indirect_dma source(%dma_start3A_430 : memref<100000xf32, #tpu.memory_space<hbm>>) target(%dma_start3A_425 : memref<32xf32, #tpu.memory_space<vmem>>) offsets(%arg5 : memref<32xi32, #tpu.memory_space<vmem>>) semaphore(%arg7 : memref<!tpu.dma_semaphore, #tpu.memory_space<semaphore_mem>>)
    %dma_start3A_431 = arith.constant 27 : i32
    %dma_start3A_432 = arith.constant 27 : i32
    %dma_start3A_433 = arith.constant 0 : i32
    %dma_start3A_434 = tpu.memref_slice %arg6[%dma_start3A_432, %dma_start3A_433] : memref<32x32xf32, #tpu.memory_space<vmem>> -> memref<1x32xf32, #tpu.memory_space<vmem>>
    %dma_start3A_435 = tpu.memref_squeeze %dma_start3A_434 : memref<1x32xf32, #tpu.memory_space<vmem>> -> memref<32xf32, #tpu.memory_space<vmem>>
    %dma_start3A_436 = arith.constant 0 : i32
    %dma_start3A_437 = tpu.memref_slice %arg3[%dma_start3A_431, %dma_start3A_436] : memref<32x100000xf32, #tpu.memory_space<hbm>> -> memref<1x100000xf32, #tpu.memory_space<hbm>>
    %dma_start3A_438 = tpu.memref_squeeze %dma_start3A_437 : memref<1x100000xf32, #tpu.memory_space<hbm>> -> memref<100000xf32, #tpu.memory_space<hbm>>
    %dma_start3A_439 = arith.constant 0 : i32
    %dma_start3A_440 = tpu.memref_slice %dma_start3A_438[%dma_start3A_439] : memref<100000xf32, #tpu.memory_space<hbm>> -> memref<100000xf32, #tpu.memory_space<hbm>>
    tpu.enqueue_indirect_dma source(%dma_start3A_440 : memref<100000xf32, #tpu.memory_space<hbm>>) target(%dma_start3A_435 : memref<32xf32, #tpu.memory_space<vmem>>) offsets(%arg5 : memref<32xi32, #tpu.memory_space<vmem>>) semaphore(%arg7 : memref<!tpu.dma_semaphore, #tpu.memory_space<semaphore_mem>>)
    %dma_start3A_441 = arith.constant 28 : i32
    %dma_start3A_442 = arith.constant 28 : i32
    %dma_start3A_443 = arith.constant 0 : i32
    %dma_start3A_444 = tpu.memref_slice %arg6[%dma_start3A_442, %dma_start3A_443] : memref<32x32xf32, #tpu.memory_space<vmem>> -> memref<1x32xf32, #tpu.memory_space<vmem>>
    %dma_start3A_445 = tpu.memref_squeeze %dma_start3A_444 : memref<1x32xf32, #tpu.memory_space<vmem>> -> memref<32xf32, #tpu.memory_space<vmem>>
    %dma_start3A_446 = arith.constant 0 : i32
    %dma_start3A_447 = tpu.memref_slice %arg3[%dma_start3A_441, %dma_start3A_446] : memref<32x100000xf32, #tpu.memory_space<hbm>> -> memref<1x100000xf32, #tpu.memory_space<hbm>>
    %dma_start3A_448 = tpu.memref_squeeze %dma_start3A_447 : memref<1x100000xf32, #tpu.memory_space<hbm>> -> memref<100000xf32, #tpu.memory_space<hbm>>
    %dma_start3A_449 = arith.constant 0 : i32
    %dma_start3A_450 = tpu.memref_slice %dma_start3A_448[%dma_start3A_449] : memref<100000xf32, #tpu.memory_space<hbm>> -> memref<100000xf32, #tpu.memory_space<hbm>>
    tpu.enqueue_indirect_dma source(%dma_start3A_450 : memref<100000xf32, #tpu.memory_space<hbm>>) target(%dma_start3A_445 : memref<32xf32, #tpu.memory_space<vmem>>) offsets(%arg5 : memref<32xi32, #tpu.memory_space<vmem>>) semaphore(%arg7 : memref<!tpu.dma_semaphore, #tpu.memory_space<semaphore_mem>>)
    %dma_start3A_451 = arith.constant 29 : i32
    %dma_start3A_452 = arith.constant 29 : i32
    %dma_start3A_453 = arith.constant 0 : i32
    %dma_start3A_454 = tpu.memref_slice %arg6[%dma_start3A_452, %dma_start3A_453] : memref<32x32xf32, #tpu.memory_space<vmem>> -> memref<1x32xf32, #tpu.memory_space<vmem>>
    %dma_start3A_455 = tpu.memref_squeeze %dma_start3A_454 : memref<1x32xf32, #tpu.memory_space<vmem>> -> memref<32xf32, #tpu.memory_space<vmem>>
    %dma_start3A_456 = arith.constant 0 : i32
    %dma_start3A_457 = tpu.memref_slice %arg3[%dma_start3A_451, %dma_start3A_456] : memref<32x100000xf32, #tpu.memory_space<hbm>> -> memref<1x100000xf32, #tpu.memory_space<hbm>>
    %dma_start3A_458 = tpu.memref_squeeze %dma_start3A_457 : memref<1x100000xf32, #tpu.memory_space<hbm>> -> memref<100000xf32, #tpu.memory_space<hbm>>
    %dma_start3A_459 = arith.constant 0 : i32
    %dma_start3A_460 = tpu.memref_slice %dma_start3A_458[%dma_start3A_459] : memref<100000xf32, #tpu.memory_space<hbm>> -> memref<100000xf32, #tpu.memory_space<hbm>>
    tpu.enqueue_indirect_dma source(%dma_start3A_460 : memref<100000xf32, #tpu.memory_space<hbm>>) target(%dma_start3A_455 : memref<32xf32, #tpu.memory_space<vmem>>) offsets(%arg5 : memref<32xi32, #tpu.memory_space<vmem>>) semaphore(%arg7 : memref<!tpu.dma_semaphore, #tpu.memory_space<semaphore_mem>>)
    %dma_start3A_461 = arith.constant 30 : i32
    %dma_start3A_462 = arith.constant 30 : i32
    %dma_start3A_463 = arith.constant 0 : i32
    %dma_start3A_464 = tpu.memref_slice %arg6[%dma_start3A_462, %dma_start3A_463] : memref<32x32xf32, #tpu.memory_space<vmem>> -> memref<1x32xf32, #tpu.memory_space<vmem>>
    %dma_start3A_465 = tpu.memref_squeeze %dma_start3A_464 : memref<1x32xf32, #tpu.memory_space<vmem>> -> memref<32xf32, #tpu.memory_space<vmem>>
    %dma_start3A_466 = arith.constant 0 : i32
    %dma_start3A_467 = tpu.memref_slice %arg3[%dma_start3A_461, %dma_start3A_466] : memref<32x100000xf32, #tpu.memory_space<hbm>> -> memref<1x100000xf32, #tpu.memory_space<hbm>>
    %dma_start3A_468 = tpu.memref_squeeze %dma_start3A_467 : memref<1x100000xf32, #tpu.memory_space<hbm>> -> memref<100000xf32, #tpu.memory_space<hbm>>
    %dma_start3A_469 = arith.constant 0 : i32
    %dma_start3A_470 = tpu.memref_slice %dma_start3A_468[%dma_start3A_469] : memref<100000xf32, #tpu.memory_space<hbm>> -> memref<100000xf32, #tpu.memory_space<hbm>>
    tpu.enqueue_indirect_dma source(%dma_start3A_470 : memref<100000xf32, #tpu.memory_space<hbm>>) target(%dma_start3A_465 : memref<32xf32, #tpu.memory_space<vmem>>) offsets(%arg5 : memref<32xi32, #tpu.memory_space<vmem>>) semaphore(%arg7 : memref<!tpu.dma_semaphore, #tpu.memory_space<semaphore_mem>>)
    %dma_start3A_471 = arith.constant 31 : i32
    %dma_start3A_472 = arith.constant 31 : i32
    %dma_start3A_473 = arith.constant 0 : i32
    %dma_start3A_474 = tpu.memref_slice %arg6[%dma_start3A_472, %dma_start3A_473] : memref<32x32xf32, #tpu.memory_space<vmem>> -> memref<1x32xf32, #tpu.memory_space<vmem>>
    %dma_start3A_475 = tpu.memref_squeeze %dma_start3A_474 : memref<1x32xf32, #tpu.memory_space<vmem>> -> memref<32xf32, #tpu.memory_space<vmem>>
    %dma_start3A_476 = arith.constant 0 : i32
    %dma_start3A_477 = tpu.memref_slice %arg3[%dma_start3A_471, %dma_start3A_476] : memref<32x100000xf32, #tpu.memory_space<hbm>> -> memref<1x100000xf32, #tpu.memory_space<hbm>>
    %dma_start3A_478 = tpu.memref_squeeze %dma_start3A_477 : memref<1x100000xf32, #tpu.memory_space<hbm>> -> memref<100000xf32, #tpu.memory_space<hbm>>
    %dma_start3A_479 = arith.constant 0 : i32
    %dma_start3A_480 = tpu.memref_slice %dma_start3A_478[%dma_start3A_479] : memref<100000xf32, #tpu.memory_space<hbm>> -> memref<100000xf32, #tpu.memory_space<hbm>>
    tpu.enqueue_indirect_dma source(%dma_start3A_480 : memref<100000xf32, #tpu.memory_space<hbm>>) target(%dma_start3A_475 : memref<32xf32, #tpu.memory_space<vmem>>) offsets(%arg5 : memref<32xi32, #tpu.memory_space<vmem>>) semaphore(%arg7 : memref<!tpu.dma_semaphore, #tpu.memory_space<semaphore_mem>>)
    %dma_wait3A_481 = arith.constant 16 : i32
    %dma_wait3A_482 = arith.constant 16 : i32
    %dma_wait3A_483 = arith.constant 0 : i32
    %dma_wait3A_484 = tpu.memref_slice %arg6[%dma_wait3A_482, %dma_wait3A_483] : memref<32x32xf32, #tpu.memory_space<vmem>> -> memref<1x32xf32, #tpu.memory_space<vmem>>
    %dma_wait3A_485 = tpu.memref_squeeze %dma_wait3A_484 : memref<1x32xf32, #tpu.memory_space<vmem>> -> memref<32xf32, #tpu.memory_space<vmem>>
    %dma_wait3A_486 = arith.constant 0 : i32
    %dma_wait3A_487 = tpu.memref_slice %arg3[%dma_wait3A_481, %dma_wait3A_486] : memref<32x100000xf32, #tpu.memory_space<hbm>> -> memref<1x100000xf32, #tpu.memory_space<hbm>>
    %dma_wait3A_488 = tpu.memref_squeeze %dma_wait3A_487 : memref<1x100000xf32, #tpu.memory_space<hbm>> -> memref<100000xf32, #tpu.memory_space<hbm>>
    %dma_wait3A_489 = arith.constant 0 : i32
    %dma_wait3A_490 = tpu.memref_slice %dma_wait3A_488[%dma_wait3A_489] : memref<100000xf32, #tpu.memory_space<hbm>> -> memref<100000xf32, #tpu.memory_space<hbm>>
    tpu.wait_indirect_dma semaphore(%arg7 : memref<!tpu.dma_semaphore, #tpu.memory_space<semaphore_mem>>) src(%dma_wait3A_490 : memref<100000xf32, #tpu.memory_space<hbm>>) dst(%dma_wait3A_485 : memref<32xf32, #tpu.memory_space<vmem>>)
    %dma_wait3A_491 = arith.constant 17 : i32
    %dma_wait3A_492 = arith.constant 17 : i32
    %dma_wait3A_493 = arith.constant 0 : i32
    %dma_wait3A_494 = tpu.memref_slice %arg6[%dma_wait3A_492, %dma_wait3A_493] : memref<32x32xf32, #tpu.memory_space<vmem>> -> memref<1x32xf32, #tpu.memory_space<vmem>>
    %dma_wait3A_495 = tpu.memref_squeeze %dma_wait3A_494 : memref<1x32xf32, #tpu.memory_space<vmem>> -> memref<32xf32, #tpu.memory_space<vmem>>
    %dma_wait3A_496 = arith.constant 0 : i32
    %dma_wait3A_497 = tpu.memref_slice %arg3[%dma_wait3A_491, %dma_wait3A_496] : memref<32x100000xf32, #tpu.memory_space<hbm>> -> memref<1x100000xf32, #tpu.memory_space<hbm>>
    %dma_wait3A_498 = tpu.memref_squeeze %dma_wait3A_497 : memref<1x100000xf32, #tpu.memory_space<hbm>> -> memref<100000xf32, #tpu.memory_space<hbm>>
    %dma_wait3A_499 = arith.constant 0 : i32
    %dma_wait3A_500 = tpu.memref_slice %dma_wait3A_498[%dma_wait3A_499] : memref<100000xf32, #tpu.memory_space<hbm>> -> memref<100000xf32, #tpu.memory_space<hbm>>
    tpu.wait_indirect_dma semaphore(%arg7 : memref<!tpu.dma_semaphore, #tpu.memory_space<semaphore_mem>>) src(%dma_wait3A_500 : memref<100000xf32, #tpu.memory_space<hbm>>) dst(%dma_wait3A_495 : memref<32xf32, #tpu.memory_space<vmem>>)
    %dma_wait3A_501 = arith.constant 18 : i32
    %dma_wait3A_502 = arith.constant 18 : i32
    %dma_wait3A_503 = arith.constant 0 : i32
    %dma_wait3A_504 = tpu.memref_slice %arg6[%dma_wait3A_502, %dma_wait3A_503] : memref<32x32xf32, #tpu.memory_space<vmem>> -> memref<1x32xf32, #tpu.memory_space<vmem>>
    %dma_wait3A_505 = tpu.memref_squeeze %dma_wait3A_504 : memref<1x32xf32, #tpu.memory_space<vmem>> -> memref<32xf32, #tpu.memory_space<vmem>>
    %dma_wait3A_506 = arith.constant 0 : i32
    %dma_wait3A_507 = tpu.memref_slice %arg3[%dma_wait3A_501, %dma_wait3A_506] : memref<32x100000xf32, #tpu.memory_space<hbm>> -> memref<1x100000xf32, #tpu.memory_space<hbm>>
    %dma_wait3A_508 = tpu.memref_squeeze %dma_wait3A_507 : memref<1x100000xf32, #tpu.memory_space<hbm>> -> memref<100000xf32, #tpu.memory_space<hbm>>
    %dma_wait3A_509 = arith.constant 0 : i32
    %dma_wait3A_510 = tpu.memref_slice %dma_wait3A_508[%dma_wait3A_509] : memref<100000xf32, #tpu.memory_space<hbm>> -> memref<100000xf32, #tpu.memory_space<hbm>>
    tpu.wait_indirect_dma semaphore(%arg7 : memref<!tpu.dma_semaphore, #tpu.memory_space<semaphore_mem>>) src(%dma_wait3A_510 : memref<100000xf32, #tpu.memory_space<hbm>>) dst(%dma_wait3A_505 : memref<32xf32, #tpu.memory_space<vmem>>)
    %dma_wait3A_511 = arith.constant 19 : i32
    %dma_wait3A_512 = arith.constant 19 : i32
    %dma_wait3A_513 = arith.constant 0 : i32
    %dma_wait3A_514 = tpu.memref_slice %arg6[%dma_wait3A_512, %dma_wait3A_513] : memref<32x32xf32, #tpu.memory_space<vmem>> -> memref<1x32xf32, #tpu.memory_space<vmem>>
    %dma_wait3A_515 = tpu.memref_squeeze %dma_wait3A_514 : memref<1x32xf32, #tpu.memory_space<vmem>> -> memref<32xf32, #tpu.memory_space<vmem>>
    %dma_wait3A_516 = arith.constant 0 : i32
    %dma_wait3A_517 = tpu.memref_slice %arg3[%dma_wait3A_511, %dma_wait3A_516] : memref<32x100000xf32, #tpu.memory_space<hbm>> -> memref<1x100000xf32, #tpu.memory_space<hbm>>
    %dma_wait3A_518 = tpu.memref_squeeze %dma_wait3A_517 : memref<1x100000xf32, #tpu.memory_space<hbm>> -> memref<100000xf32, #tpu.memory_space<hbm>>
    %dma_wait3A_519 = arith.constant 0 : i32
    %dma_wait3A_520 = tpu.memref_slice %dma_wait3A_518[%dma_wait3A_519] : memref<100000xf32, #tpu.memory_space<hbm>> -> memref<100000xf32, #tpu.memory_space<hbm>>
    tpu.wait_indirect_dma semaphore(%arg7 : memref<!tpu.dma_semaphore, #tpu.memory_space<semaphore_mem>>) src(%dma_wait3A_520 : memref<100000xf32, #tpu.memory_space<hbm>>) dst(%dma_wait3A_515 : memref<32xf32, #tpu.memory_space<vmem>>)
    %dma_wait3A_521 = arith.constant 20 : i32
    %dma_wait3A_522 = arith.constant 20 : i32
    %dma_wait3A_523 = arith.constant 0 : i32
    %dma_wait3A_524 = tpu.memref_slice %arg6[%dma_wait3A_522, %dma_wait3A_523] : memref<32x32xf32, #tpu.memory_space<vmem>> -> memref<1x32xf32, #tpu.memory_space<vmem>>
    %dma_wait3A_525 = tpu.memref_squeeze %dma_wait3A_524 : memref<1x32xf32, #tpu.memory_space<vmem>> -> memref<32xf32, #tpu.memory_space<vmem>>
    %dma_wait3A_526 = arith.constant 0 : i32
    %dma_wait3A_527 = tpu.memref_slice %arg3[%dma_wait3A_521, %dma_wait3A_526] : memref<32x100000xf32, #tpu.memory_space<hbm>> -> memref<1x100000xf32, #tpu.memory_space<hbm>>
    %dma_wait3A_528 = tpu.memref_squeeze %dma_wait3A_527 : memref<1x100000xf32, #tpu.memory_space<hbm>> -> memref<100000xf32, #tpu.memory_space<hbm>>
    %dma_wait3A_529 = arith.constant 0 : i32
    %dma_wait3A_530 = tpu.memref_slice %dma_wait3A_528[%dma_wait3A_529] : memref<100000xf32, #tpu.memory_space<hbm>> -> memref<100000xf32, #tpu.memory_space<hbm>>
    tpu.wait_indirect_dma semaphore(%arg7 : memref<!tpu.dma_semaphore, #tpu.memory_space<semaphore_mem>>) src(%dma_wait3A_530 : memref<100000xf32, #tpu.memory_space<hbm>>) dst(%dma_wait3A_525 : memref<32xf32, #tpu.memory_space<vmem>>)
    %dma_wait3A_531 = arith.constant 21 : i32
    %dma_wait3A_532 = arith.constant 21 : i32
    %dma_wait3A_533 = arith.constant 0 : i32
    %dma_wait3A_534 = tpu.memref_slice %arg6[%dma_wait3A_532, %dma_wait3A_533] : memref<32x32xf32, #tpu.memory_space<vmem>> -> memref<1x32xf32, #tpu.memory_space<vmem>>
    %dma_wait3A_535 = tpu.memref_squeeze %dma_wait3A_534 : memref<1x32xf32, #tpu.memory_space<vmem>> -> memref<32xf32, #tpu.memory_space<vmem>>
    %dma_wait3A_536 = arith.constant 0 : i32
    %dma_wait3A_537 = tpu.memref_slice %arg3[%dma_wait3A_531, %dma_wait3A_536] : memref<32x100000xf32, #tpu.memory_space<hbm>> -> memref<1x100000xf32, #tpu.memory_space<hbm>>
    %dma_wait3A_538 = tpu.memref_squeeze %dma_wait3A_537 : memref<1x100000xf32, #tpu.memory_space<hbm>> -> memref<100000xf32, #tpu.memory_space<hbm>>
    %dma_wait3A_539 = arith.constant 0 : i32
    %dma_wait3A_540 = tpu.memref_slice %dma_wait3A_538[%dma_wait3A_539] : memref<100000xf32, #tpu.memory_space<hbm>> -> memref<100000xf32, #tpu.memory_space<hbm>>
    tpu.wait_indirect_dma semaphore(%arg7 : memref<!tpu.dma_semaphore, #tpu.memory_space<semaphore_mem>>) src(%dma_wait3A_540 : memref<100000xf32, #tpu.memory_space<hbm>>) dst(%dma_wait3A_535 : memref<32xf32, #tpu.memory_space<vmem>>)
    %dma_wait3A_541 = arith.constant 22 : i32
    %dma_wait3A_542 = arith.constant 22 : i32
    %dma_wait3A_543 = arith.constant 0 : i32
    %dma_wait3A_544 = tpu.memref_slice %arg6[%dma_wait3A_542, %dma_wait3A_543] : memref<32x32xf32, #tpu.memory_space<vmem>> -> memref<1x32xf32, #tpu.memory_space<vmem>>
    %dma_wait3A_545 = tpu.memref_squeeze %dma_wait3A_544 : memref<1x32xf32, #tpu.memory_space<vmem>> -> memref<32xf32, #tpu.memory_space<vmem>>
    %dma_wait3A_546 = arith.constant 0 : i32
    %dma_wait3A_547 = tpu.memref_slice %arg3[%dma_wait3A_541, %dma_wait3A_546] : memref<32x100000xf32, #tpu.memory_space<hbm>> -> memref<1x100000xf32, #tpu.memory_space<hbm>>
    %dma_wait3A_548 = tpu.memref_squeeze %dma_wait3A_547 : memref<1x100000xf32, #tpu.memory_space<hbm>> -> memref<100000xf32, #tpu.memory_space<hbm>>
    %dma_wait3A_549 = arith.constant 0 : i32
    %dma_wait3A_550 = tpu.memref_slice %dma_wait3A_548[%dma_wait3A_549] : memref<100000xf32, #tpu.memory_space<hbm>> -> memref<100000xf32, #tpu.memory_space<hbm>>
    tpu.wait_indirect_dma semaphore(%arg7 : memref<!tpu.dma_semaphore, #tpu.memory_space<semaphore_mem>>) src(%dma_wait3A_550 : memref<100000xf32, #tpu.memory_space<hbm>>) dst(%dma_wait3A_545 : memref<32xf32, #tpu.memory_space<vmem>>)
    %dma_wait3A_551 = arith.constant 23 : i32
    %dma_wait3A_552 = arith.constant 23 : i32
    %dma_wait3A_553 = arith.constant 0 : i32
    %dma_wait3A_554 = tpu.memref_slice %arg6[%dma_wait3A_552, %dma_wait3A_553] : memref<32x32xf32, #tpu.memory_space<vmem>> -> memref<1x32xf32, #tpu.memory_space<vmem>>
    %dma_wait3A_555 = tpu.memref_squeeze %dma_wait3A_554 : memref<1x32xf32, #tpu.memory_space<vmem>> -> memref<32xf32, #tpu.memory_space<vmem>>
    %dma_wait3A_556 = arith.constant 0 : i32
    %dma_wait3A_557 = tpu.memref_slice %arg3[%dma_wait3A_551, %dma_wait3A_556] : memref<32x100000xf32, #tpu.memory_space<hbm>> -> memref<1x100000xf32, #tpu.memory_space<hbm>>
    %dma_wait3A_558 = tpu.memref_squeeze %dma_wait3A_557 : memref<1x100000xf32, #tpu.memory_space<hbm>> -> memref<100000xf32, #tpu.memory_space<hbm>>
    %dma_wait3A_559 = arith.constant 0 : i32
    %dma_wait3A_560 = tpu.memref_slice %dma_wait3A_558[%dma_wait3A_559] : memref<100000xf32, #tpu.memory_space<hbm>> -> memref<100000xf32, #tpu.memory_space<hbm>>
    tpu.wait_indirect_dma semaphore(%arg7 : memref<!tpu.dma_semaphore, #tpu.memory_space<semaphore_mem>>) src(%dma_wait3A_560 : memref<100000xf32, #tpu.memory_space<hbm>>) dst(%dma_wait3A_555 : memref<32xf32, #tpu.memory_space<vmem>>)
    %dma_wait3A_561 = arith.constant 24 : i32
    %dma_wait3A_562 = arith.constant 24 : i32
    %dma_wait3A_563 = arith.constant 0 : i32
    %dma_wait3A_564 = tpu.memref_slice %arg6[%dma_wait3A_562, %dma_wait3A_563] : memref<32x32xf32, #tpu.memory_space<vmem>> -> memref<1x32xf32, #tpu.memory_space<vmem>>
    %dma_wait3A_565 = tpu.memref_squeeze %dma_wait3A_564 : memref<1x32xf32, #tpu.memory_space<vmem>> -> memref<32xf32, #tpu.memory_space<vmem>>
    %dma_wait3A_566 = arith.constant 0 : i32
    %dma_wait3A_567 = tpu.memref_slice %arg3[%dma_wait3A_561, %dma_wait3A_566] : memref<32x100000xf32, #tpu.memory_space<hbm>> -> memref<1x100000xf32, #tpu.memory_space<hbm>>
    %dma_wait3A_568 = tpu.memref_squeeze %dma_wait3A_567 : memref<1x100000xf32, #tpu.memory_space<hbm>> -> memref<100000xf32, #tpu.memory_space<hbm>>
    %dma_wait3A_569 = arith.constant 0 : i32
    %dma_wait3A_570 = tpu.memref_slice %dma_wait3A_568[%dma_wait3A_569] : memref<100000xf32, #tpu.memory_space<hbm>> -> memref<100000xf32, #tpu.memory_space<hbm>>
    tpu.wait_indirect_dma semaphore(%arg7 : memref<!tpu.dma_semaphore, #tpu.memory_space<semaphore_mem>>) src(%dma_wait3A_570 : memref<100000xf32, #tpu.memory_space<hbm>>) dst(%dma_wait3A_565 : memref<32xf32, #tpu.memory_space<vmem>>)
    %dma_wait3A_571 = arith.constant 25 : i32
    %dma_wait3A_572 = arith.constant 25 : i32
    %dma_wait3A_573 = arith.constant 0 : i32
    %dma_wait3A_574 = tpu.memref_slice %arg6[%dma_wait3A_572, %dma_wait3A_573] : memref<32x32xf32, #tpu.memory_space<vmem>> -> memref<1x32xf32, #tpu.memory_space<vmem>>
    %dma_wait3A_575 = tpu.memref_squeeze %dma_wait3A_574 : memref<1x32xf32, #tpu.memory_space<vmem>> -> memref<32xf32, #tpu.memory_space<vmem>>
    %dma_wait3A_576 = arith.constant 0 : i32
    %dma_wait3A_577 = tpu.memref_slice %arg3[%dma_wait3A_571, %dma_wait3A_576] : memref<32x100000xf32, #tpu.memory_space<hbm>> -> memref<1x100000xf32, #tpu.memory_space<hbm>>
    %dma_wait3A_578 = tpu.memref_squeeze %dma_wait3A_577 : memref<1x100000xf32, #tpu.memory_space<hbm>> -> memref<100000xf32, #tpu.memory_space<hbm>>
    %dma_wait3A_579 = arith.constant 0 : i32
    %dma_wait3A_580 = tpu.memref_slice %dma_wait3A_578[%dma_wait3A_579] : memref<100000xf32, #tpu.memory_space<hbm>> -> memref<100000xf32, #tpu.memory_space<hbm>>
    tpu.wait_indirect_dma semaphore(%arg7 : memref<!tpu.dma_semaphore, #tpu.memory_space<semaphore_mem>>) src(%dma_wait3A_580 : memref<100000xf32, #tpu.memory_space<hbm>>) dst(%dma_wait3A_575 : memref<32xf32, #tpu.memory_space<vmem>>)
    %dma_wait3A_581 = arith.constant 26 : i32
    %dma_wait3A_582 = arith.constant 26 : i32
    %dma_wait3A_583 = arith.constant 0 : i32
    %dma_wait3A_584 = tpu.memref_slice %arg6[%dma_wait3A_582, %dma_wait3A_583] : memref<32x32xf32, #tpu.memory_space<vmem>> -> memref<1x32xf32, #tpu.memory_space<vmem>>
    %dma_wait3A_585 = tpu.memref_squeeze %dma_wait3A_584 : memref<1x32xf32, #tpu.memory_space<vmem>> -> memref<32xf32, #tpu.memory_space<vmem>>
    %dma_wait3A_586 = arith.constant 0 : i32
    %dma_wait3A_587 = tpu.memref_slice %arg3[%dma_wait3A_581, %dma_wait3A_586] : memref<32x100000xf32, #tpu.memory_space<hbm>> -> memref<1x100000xf32, #tpu.memory_space<hbm>>
    %dma_wait3A_588 = tpu.memref_squeeze %dma_wait3A_587 : memref<1x100000xf32, #tpu.memory_space<hbm>> -> memref<100000xf32, #tpu.memory_space<hbm>>
    %dma_wait3A_589 = arith.constant 0 : i32
    %dma_wait3A_590 = tpu.memref_slice %dma_wait3A_588[%dma_wait3A_589] : memref<100000xf32, #tpu.memory_space<hbm>> -> memref<100000xf32, #tpu.memory_space<hbm>>
    tpu.wait_indirect_dma semaphore(%arg7 : memref<!tpu.dma_semaphore, #tpu.memory_space<semaphore_mem>>) src(%dma_wait3A_590 : memref<100000xf32, #tpu.memory_space<hbm>>) dst(%dma_wait3A_585 : memref<32xf32, #tpu.memory_space<vmem>>)
    %dma_wait3A_591 = arith.constant 27 : i32
    %dma_wait3A_592 = arith.constant 27 : i32
    %dma_wait3A_593 = arith.constant 0 : i32
    %dma_wait3A_594 = tpu.memref_slice %arg6[%dma_wait3A_592, %dma_wait3A_593] : memref<32x32xf32, #tpu.memory_space<vmem>> -> memref<1x32xf32, #tpu.memory_space<vmem>>
    %dma_wait3A_595 = tpu.memref_squeeze %dma_wait3A_594 : memref<1x32xf32, #tpu.memory_space<vmem>> -> memref<32xf32, #tpu.memory_space<vmem>>
    %dma_wait3A_596 = arith.constant 0 : i32
    %dma_wait3A_597 = tpu.memref_slice %arg3[%dma_wait3A_591, %dma_wait3A_596] : memref<32x100000xf32, #tpu.memory_space<hbm>> -> memref<1x100000xf32, #tpu.memory_space<hbm>>
    %dma_wait3A_598 = tpu.memref_squeeze %dma_wait3A_597 : memref<1x100000xf32, #tpu.memory_space<hbm>> -> memref<100000xf32, #tpu.memory_space<hbm>>
    %dma_wait3A_599 = arith.constant 0 : i32
    %dma_wait3A_600 = tpu.memref_slice %dma_wait3A_598[%dma_wait3A_599] : memref<100000xf32, #tpu.memory_space<hbm>> -> memref<100000xf32, #tpu.memory_space<hbm>>
    tpu.wait_indirect_dma semaphore(%arg7 : memref<!tpu.dma_semaphore, #tpu.memory_space<semaphore_mem>>) src(%dma_wait3A_600 : memref<100000xf32, #tpu.memory_space<hbm>>) dst(%dma_wait3A_595 : memref<32xf32, #tpu.memory_space<vmem>>)
    %dma_wait3A_601 = arith.constant 28 : i32
    %dma_wait3A_602 = arith.constant 28 : i32
    %dma_wait3A_603 = arith.constant 0 : i32
    %dma_wait3A_604 = tpu.memref_slice %arg6[%dma_wait3A_602, %dma_wait3A_603] : memref<32x32xf32, #tpu.memory_space<vmem>> -> memref<1x32xf32, #tpu.memory_space<vmem>>
    %dma_wait3A_605 = tpu.memref_squeeze %dma_wait3A_604 : memref<1x32xf32, #tpu.memory_space<vmem>> -> memref<32xf32, #tpu.memory_space<vmem>>
    %dma_wait3A_606 = arith.constant 0 : i32
    %dma_wait3A_607 = tpu.memref_slice %arg3[%dma_wait3A_601, %dma_wait3A_606] : memref<32x100000xf32, #tpu.memory_space<hbm>> -> memref<1x100000xf32, #tpu.memory_space<hbm>>
    %dma_wait3A_608 = tpu.memref_squeeze %dma_wait3A_607 : memref<1x100000xf32, #tpu.memory_space<hbm>> -> memref<100000xf32, #tpu.memory_space<hbm>>
    %dma_wait3A_609 = arith.constant 0 : i32
    %dma_wait3A_610 = tpu.memref_slice %dma_wait3A_608[%dma_wait3A_609] : memref<100000xf32, #tpu.memory_space<hbm>> -> memref<100000xf32, #tpu.memory_space<hbm>>
    tpu.wait_indirect_dma semaphore(%arg7 : memref<!tpu.dma_semaphore, #tpu.memory_space<semaphore_mem>>) src(%dma_wait3A_610 : memref<100000xf32, #tpu.memory_space<hbm>>) dst(%dma_wait3A_605 : memref<32xf32, #tpu.memory_space<vmem>>)
    %dma_wait3A_611 = arith.constant 29 : i32
    %dma_wait3A_612 = arith.constant 29 : i32
    %dma_wait3A_613 = arith.constant 0 : i32
    %dma_wait3A_614 = tpu.memref_slice %arg6[%dma_wait3A_612, %dma_wait3A_613] : memref<32x32xf32, #tpu.memory_space<vmem>> -> memref<1x32xf32, #tpu.memory_space<vmem>>
    %dma_wait3A_615 = tpu.memref_squeeze %dma_wait3A_614 : memref<1x32xf32, #tpu.memory_space<vmem>> -> memref<32xf32, #tpu.memory_space<vmem>>
    %dma_wait3A_616 = arith.constant 0 : i32
    %dma_wait3A_617 = tpu.memref_slice %arg3[%dma_wait3A_611, %dma_wait3A_616] : memref<32x100000xf32, #tpu.memory_space<hbm>> -> memref<1x100000xf32, #tpu.memory_space<hbm>>
    %dma_wait3A_618 = tpu.memref_squeeze %dma_wait3A_617 : memref<1x100000xf32, #tpu.memory_space<hbm>> -> memref<100000xf32, #tpu.memory_space<hbm>>
    %dma_wait3A_619 = arith.constant 0 : i32
    %dma_wait3A_620 = tpu.memref_slice %dma_wait3A_618[%dma_wait3A_619] : memref<100000xf32, #tpu.memory_space<hbm>> -> memref<100000xf32, #tpu.memory_space<hbm>>
    tpu.wait_indirect_dma semaphore(%arg7 : memref<!tpu.dma_semaphore, #tpu.memory_space<semaphore_mem>>) src(%dma_wait3A_620 : memref<100000xf32, #tpu.memory_space<hbm>>) dst(%dma_wait3A_615 : memref<32xf32, #tpu.memory_space<vmem>>)
    %dma_wait3A_621 = arith.constant 30 : i32
    %dma_wait3A_622 = arith.constant 30 : i32
    %dma_wait3A_623 = arith.constant 0 : i32
    %dma_wait3A_624 = tpu.memref_slice %arg6[%dma_wait3A_622, %dma_wait3A_623] : memref<32x32xf32, #tpu.memory_space<vmem>> -> memref<1x32xf32, #tpu.memory_space<vmem>>
    %dma_wait3A_625 = tpu.memref_squeeze %dma_wait3A_624 : memref<1x32xf32, #tpu.memory_space<vmem>> -> memref<32xf32, #tpu.memory_space<vmem>>
    %dma_wait3A_626 = arith.constant 0 : i32
    %dma_wait3A_627 = tpu.memref_slice %arg3[%dma_wait3A_621, %dma_wait3A_626] : memref<32x100000xf32, #tpu.memory_space<hbm>> -> memref<1x100000xf32, #tpu.memory_space<hbm>>
    %dma_wait3A_628 = tpu.memref_squeeze %dma_wait3A_627 : memref<1x100000xf32, #tpu.memory_space<hbm>> -> memref<100000xf32, #tpu.memory_space<hbm>>
    %dma_wait3A_629 = arith.constant 0 : i32
    %dma_wait3A_630 = tpu.memref_slice %dma_wait3A_628[%dma_wait3A_629] : memref<100000xf32, #tpu.memory_space<hbm>> -> memref<100000xf32, #tpu.memory_space<hbm>>
    tpu.wait_indirect_dma semaphore(%arg7 : memref<!tpu.dma_semaphore, #tpu.memory_space<semaphore_mem>>) src(%dma_wait3A_630 : memref<100000xf32, #tpu.memory_space<hbm>>) dst(%dma_wait3A_625 : memref<32xf32, #tpu.memory_space<vmem>>)
    %dma_wait3A_631 = arith.constant 31 : i32
    %dma_wait3A_632 = arith.constant 31 : i32
    %dma_wait3A_633 = arith.constant 0 : i32
    %dma_wait3A_634 = tpu.memref_slice %arg6[%dma_wait3A_632, %dma_wait3A_633] : memref<32x32xf32, #tpu.memory_space<vmem>> -> memref<1x32xf32, #tpu.memory_space<vmem>>
    %dma_wait3A_635 = tpu.memref_squeeze %dma_wait3A_634 : memref<1x32xf32, #tpu.memory_space<vmem>> -> memref<32xf32, #tpu.memory_space<vmem>>
    %dma_wait3A_636 = arith.constant 0 : i32
    %dma_wait3A_637 = tpu.memref_slice %arg3[%dma_wait3A_631, %dma_wait3A_636] : memref<32x100000xf32, #tpu.memory_space<hbm>> -> memref<1x100000xf32, #tpu.memory_space<hbm>>
    %dma_wait3A_638 = tpu.memref_squeeze %dma_wait3A_637 : memref<1x100000xf32, #tpu.memory_space<hbm>> -> memref<100000xf32, #tpu.memory_space<hbm>>
    %dma_wait3A_639 = arith.constant 0 : i32
    %dma_wait3A_640 = tpu.memref_slice %dma_wait3A_638[%dma_wait3A_639] : memref<100000xf32, #tpu.memory_space<hbm>> -> memref<100000xf32, #tpu.memory_space<hbm>>
    tpu.wait_indirect_dma semaphore(%arg7 : memref<!tpu.dma_semaphore, #tpu.memory_space<semaphore_mem>>) src(%dma_wait3A_640 : memref<100000xf32, #tpu.memory_space<hbm>>) dst(%dma_wait3A_635 : memref<32xf32, #tpu.memory_space<vmem>>)
    "tpu.region"() ({
      %run_scoped3A = tpu.sem_alloc : memref<!tpu.dma_semaphore, #tpu.memory_space<semaphore_mem>>
      %dma_start3A_641 = arith.constant 0 : i32
      %dma_start3A_642 = tpu.memref_slice %arg4[%dma_start3A_641, %mul3A_2] : memref<32x1024xf32, #tpu.memory_space<hbm>> -> memref<32x32xf32, #tpu.memory_space<hbm>>
      %dma_start3A_643 = arith.constant 0 : i32
      %dma_start3A_644 = tpu.memref_slice %arg4[%dma_start3A_643, %mul3A_2] : memref<32x1024xf32, #tpu.memory_space<hbm>> -> memref<32x32xf32, #tpu.memory_space<hbm>>
      tpu.enqueue_dma source(%arg6 : memref<32x32xf32, #tpu.memory_space<vmem>>) target(%dma_start3A_644 : memref<32x32xf32, #tpu.memory_space<hbm>>) target_semaphore(%run_scoped3A : memref<!tpu.dma_semaphore, #tpu.memory_space<semaphore_mem>>)
      %dma_wait3A_645 = arith.constant 0 : i32
      %dma_wait3A_646 = tpu.memref_slice %arg4[%dma_wait3A_645, %mul3A_2] : memref<32x1024xf32, #tpu.memory_space<hbm>> -> memref<32x32xf32, #tpu.memory_space<hbm>>
      %dma_wait3A_647 = arith.constant 0 : i32
      %dma_wait3A_648 = tpu.memref_slice %arg4[%dma_wait3A_647, %mul3A_2] : memref<32x1024xf32, #tpu.memory_space<hbm>> -> memref<32x32xf32, #tpu.memory_space<hbm>>
      tpu.wait_dma2 semaphore(%run_scoped3A : memref<!tpu.dma_semaphore, #tpu.memory_space<semaphore_mem>>) src(%arg6 : memref<32x32xf32, #tpu.memory_space<vmem>>) dst(%dma_wait3A_648 : memref<32x32xf32, #tpu.memory_space<hbm>>)
      tpu.yield
    }) : () -> ()
    return
  }
}

module attributes {stable_mosaic.version = 14 : i64} {
  func.func @_softmax_body(%arg0: i32, %arg1: i32, %arg2: memref<33x2048xbf16, #tpu.memory_space<vmem>>, %arg3: memref<33x1024xbf16, #tpu.memory_space<vmem>>, %arg4: memref<2048x1024xf32, #tpu.memory_space<vmem>>, %arg5: memref<1x1024xf32, #tpu.memory_space<vmem>>, %arg6: memref<1x1024xf32, #tpu.memory_space<vmem>>) attributes {dimension_semantics = [#tpu.dimension_semantics<arbitrary>, #tpu.dimension_semantics<arbitrary>], iteration_bounds = array<i64: 2, 49>, scalar_prefetch = 0 : i64, scratch_operands = 2 : i64, tpu.core_type = #tpu.core_type<tc>, window_params = [{transform_indices = @transform_0, window_bounds = array<i64: 33, 2048>}, {pipeline_mode = #tpu.pipeline_mode<synchronous>, transform_indices = @transform_1, window_bounds = array<i64: 33, 1024>}, {transform_indices = @transform_2, window_bounds = array<i64: 2048, 1024>}]} {
    %eq3A = arith.constant 0 : i32
    %eq3A_0 = arith.cmpi eq, %arg0, %eq3A : i32
    %convert_element_type3A = arith.extui %eq3A_0 : i1 to i32
    %cond3A = arith.constant 0 : i32
    %cond3A_1 = arith.cmpi ne, %convert_element_type3A, %cond3A : i32
    scf.if %cond3A_1 {
      %eq3A_7 = arith.constant 0 : i32
      %eq3A_8 = arith.cmpi eq, %arg1, %eq3A_7 : i32
      %convert_element_type3A_9 = arith.extui %eq3A_8 : i1 to i32
      %cond3A_10 = arith.constant 0 : i32
      %cond3A_11 = arith.cmpi ne, %convert_element_type3A_9, %cond3A_10 : i32
      scf.if %cond3A_11 {
        %broadcast_in_dim3A_71 = arith.constant 0.000000e+00 : f32
        %broadcast_in_dim3A_72 = vector.broadcast %broadcast_in_dim3A_71 : f32 to vector<1x1024xf32>
        %swap3A_73 = arith.constant 0 : index
        %swap3A_74 = arith.constant 0 : index
        %swap3A_75 = vector.load %arg5[%swap3A_73, %swap3A_74] : memref<1x1024xf32, #tpu.memory_space<vmem>>, vector<1x1024xf32>
        tpu.vector_store %arg5[%swap3A_73, %swap3A_74], %broadcast_in_dim3A_72 {strides = array<i32>} : memref<1x1024xf32, #tpu.memory_space<vmem>>, vector<1x1024xf32>,
      } else {
      }
      %broadcast_in_dim3A = arith.constant 0.000000e+00 : f32
      %broadcast_in_dim3A_12 = vector.broadcast %broadcast_in_dim3A : f32 to vector<1x1024xf32>
      %get3A = arith.constant 0 : index
      %get3A_13 = arith.constant 0 : index
      %get3A_14 = vector.load %arg2[%get3A, %get3A_13] : memref<33x2048xbf16, #tpu.memory_space<vmem>>, vector<33x512xbf16>
      %get3A_15 = arith.constant 0 : index
      %get3A_16 = arith.constant 0 : index
      %get3A_17 = vector.load %arg3[%get3A_15, %get3A_16] : memref<33x1024xbf16, #tpu.memory_space<vmem>>, vector<33x1024xbf16>
      %dot_general3A = arith.constant dense<0.000000e+00> : vector<512x1024xf32>
      %dot_general3A_18 = tpu.matmul %get3A_14, %get3A_17, %dot_general3A {dimension_numbers = #tpu.dot_dimension_numbers<[0], [0], [1], [1], [0, 1, 1, 1], [], []>, transpose_lhs_hint = false} : vector<33x512xbf16>, vector<33x1024xbf16>, vector<512x1024xf32> -> vector<512x1024xf32>
      %exp23A = math.exp2 %dot_general3A_18 : vector<512x1024xf32>
      %reduce_sum3A = arith.constant dense<0.000000e+00> : vector<1024xf32>
      %reduce_sum3A_19 = vector.multi_reduction <add>, %exp23A, %reduce_sum3A [0] : vector<512x1024xf32> to vector<1024xf32>
      %broadcast_in_dim3A_20 = vector.shape_cast %reduce_sum3A_19 : vector<1024xf32> to vector<1x1024xf32>
      %add3A = arith.addf %broadcast_in_dim3A_12, %broadcast_in_dim3A_20 : vector<1x1024xf32>
      %get3A_21 = arith.constant 0 : index
      %get3A_22 = arith.constant 512 : index
      %get3A_23 = vector.load %arg2[%get3A_21, %get3A_22] : memref<33x2048xbf16, #tpu.memory_space<vmem>>, vector<33x512xbf16>
      %get3A_24 = arith.constant 0 : index
      %get3A_25 = arith.constant 0 : index
      %get3A_26 = vector.load %arg3[%get3A_24, %get3A_25] : memref<33x1024xbf16, #tpu.memory_space<vmem>>, vector<33x1024xbf16>
      %dot_general3A_27 = arith.constant dense<0.000000e+00> : vector<512x1024xf32>
      %dot_general3A_28 = tpu.matmul %get3A_23, %get3A_26, %dot_general3A_27 {dimension_numbers = #tpu.dot_dimension_numbers<[0], [0], [1], [1], [0, 1, 1, 1], [], []>, transpose_lhs_hint = false} : vector<33x512xbf16>, vector<33x1024xbf16>, vector<512x1024xf32> -> vector<512x1024xf32>
      %exp23A_29 = math.exp2 %dot_general3A_28 : vector<512x1024xf32>
      %reduce_sum3A_30 = arith.constant dense<0.000000e+00> : vector<1024xf32>
      %reduce_sum3A_31 = vector.multi_reduction <add>, %exp23A_29, %reduce_sum3A_30 [0] : vector<512x1024xf32> to vector<1024xf32>
      %broadcast_in_dim3A_32 = vector.shape_cast %reduce_sum3A_31 : vector<1024xf32> to vector<1x1024xf32>
      %add3A_33 = arith.addf %add3A, %broadcast_in_dim3A_32 : vector<1x1024xf32>
      %get3A_34 = arith.constant 0 : index
      %get3A_35 = arith.constant 1024 : index
      %get3A_36 = vector.load %arg2[%get3A_34, %get3A_35] : memref<33x2048xbf16, #tpu.memory_space<vmem>>, vector<33x512xbf16>
      %get3A_37 = arith.constant 0 : index
      %get3A_38 = arith.constant 0 : index
      %get3A_39 = vector.load %arg3[%get3A_37, %get3A_38] : memref<33x1024xbf16, #tpu.memory_space<vmem>>, vector<33x1024xbf16>
      %dot_general3A_40 = arith.constant dense<0.000000e+00> : vector<512x1024xf32>
      %dot_general3A_41 = tpu.matmul %get3A_36, %get3A_39, %dot_general3A_40 {dimension_numbers = #tpu.dot_dimension_numbers<[0], [0], [1], [1], [0, 1, 1, 1], [], []>, transpose_lhs_hint = false} : vector<33x512xbf16>, vector<33x1024xbf16>, vector<512x1024xf32> -> vector<512x1024xf32>
      %exp23A_42 = math.exp2 %dot_general3A_41 : vector<512x1024xf32>
      %reduce_sum3A_43 = arith.constant dense<0.000000e+00> : vector<1024xf32>
      %reduce_sum3A_44 = vector.multi_reduction <add>, %exp23A_42, %reduce_sum3A_43 [0] : vector<512x1024xf32> to vector<1024xf32>
      %broadcast_in_dim3A_45 = vector.shape_cast %reduce_sum3A_44 : vector<1024xf32> to vector<1x1024xf32>
      %add3A_46 = arith.addf %add3A_33, %broadcast_in_dim3A_45 : vector<1x1024xf32>
      %get3A_47 = arith.constant 0 : index
      %get3A_48 = arith.constant 1536 : index
      %get3A_49 = vector.load %arg2[%get3A_47, %get3A_48] : memref<33x2048xbf16, #tpu.memory_space<vmem>>, vector<33x512xbf16>
      %get3A_50 = arith.constant 0 : index
      %get3A_51 = arith.constant 0 : index
      %get3A_52 = vector.load %arg3[%get3A_50, %get3A_51] : memref<33x1024xbf16, #tpu.memory_space<vmem>>, vector<33x1024xbf16>
      %dot_general3A_53 = arith.constant dense<0.000000e+00> : vector<512x1024xf32>
      %dot_general3A_54 = tpu.matmul %get3A_49, %get3A_52, %dot_general3A_53 {dimension_numbers = #tpu.dot_dimension_numbers<[0], [0], [1], [1], [0, 1, 1, 1], [], []>, transpose_lhs_hint = false} : vector<33x512xbf16>, vector<33x1024xbf16>, vector<512x1024xf32> -> vector<512x1024xf32>
      %exp23A_55 = math.exp2 %dot_general3A_54 : vector<512x1024xf32>
      %reduce_sum3A_56 = arith.constant dense<0.000000e+00> : vector<1024xf32>
      %reduce_sum3A_57 = vector.multi_reduction <add>, %exp23A_55, %reduce_sum3A_56 [0] : vector<512x1024xf32> to vector<1024xf32>
      %broadcast_in_dim3A_58 = vector.shape_cast %reduce_sum3A_57 : vector<1024xf32> to vector<1x1024xf32>
      %add3A_59 = arith.addf %add3A_46, %broadcast_in_dim3A_58 : vector<1x1024xf32>
      %get3A_60 = arith.constant 0 : index
      %get3A_61 = arith.constant 0 : index
      %get3A_62 = vector.load %arg5[%get3A_60, %get3A_61] : memref<1x1024xf32, #tpu.memory_space<vmem>>, vector<1x1024xf32>
      %add3A_63 = arith.addf %get3A_62, %add3A_59 : vector<1x1024xf32>
      %swap3A = arith.constant 0 : index
      %swap3A_64 = arith.constant 0 : index
      %swap3A_65 = vector.load %arg5[%swap3A, %swap3A_64] : memref<1x1024xf32, #tpu.memory_space<vmem>>, vector<1x1024xf32>
      tpu.vector_store %arg5[%swap3A, %swap3A_64], %add3A_63 {strides = array<i32>} : memref<1x1024xf32, #tpu.memory_space<vmem>>, vector<1x1024xf32>,
      %eq3A_66 = arith.constant 48 : i32
      %eq3A_67 = arith.cmpi eq, %arg1, %eq3A_66 : i32
      %convert_element_type3A_68 = arith.extui %eq3A_67 : i1 to i32
      %cond3A_69 = arith.constant 0 : i32
      %cond3A_70 = arith.cmpi ne, %convert_element_type3A_68, %cond3A_69 : i32
      scf.if %cond3A_70 {
        %get3A_71 = arith.constant 0 : index
        %get3A_72 = arith.constant 0 : index
        %get3A_73 = vector.load %arg5[%get3A_71, %get3A_72] : memref<1x1024xf32, #tpu.memory_space<vmem>>, vector<1x1024xf32>
        %log3A = math.log %get3A_73 : vector<1x1024xf32>
        %log3A_74 = arith.constant 2.000000e+00 : f32
        %log3A_75 = math.log %log3A_74 : f32
        %div3A = vector.broadcast %log3A_75 : f32 to vector<1x1024xf32>
        %div3A_76 = arith.divf %log3A, %div3A : vector<1x1024xf32>
        %swap3A_77 = arith.constant 0 : index
        %swap3A_78 = arith.constant 0 : index
        %swap3A_79 = vector.load %arg6[%swap3A_77, %swap3A_78] : memref<1x1024xf32, #tpu.memory_space<vmem>>, vector<1x1024xf32>
        tpu.vector_store %arg6[%swap3A_77, %swap3A_78], %div3A_76 {strides = array<i32>} : memref<1x1024xf32, #tpu.memory_space<vmem>>, vector<1x1024xf32>,
      } else {
      }
    } else {
    }
    %eq3A_2 = arith.constant 1 : i32
    %eq3A_3 = arith.cmpi eq, %arg0, %eq3A_2 : i32
    %convert_element_type3A_4 = arith.extui %eq3A_3 : i1 to i32
    %cond3A_5 = arith.constant 0 : i32
    %cond3A_6 = arith.cmpi ne, %convert_element_type3A_4, %cond3A_5 : i32
    scf.if %cond3A_6 {
      %get3A = arith.constant 0 : index
      %get3A_7 = arith.constant 0 : index
      %get3A_8 = vector.load %arg2[%get3A, %get3A_7] : memref<33x2048xbf16, #tpu.memory_space<vmem>>, vector<33x2048xbf16>
      %get3A_9 = arith.constant 0 : index
      %get3A_10 = arith.constant 0 : index
      %get3A_11 = vector.load %arg3[%get3A_9, %get3A_10] : memref<33x1024xbf16, #tpu.memory_space<vmem>>, vector<33x1024xbf16>
      %dot_general3A = arith.constant dense<0.000000e+00> : vector<2048x1024xf32>
      %dot_general3A_12 = tpu.matmul %get3A_8, %get3A_11, %dot_general3A {dimension_numbers = #tpu.dot_dimension_numbers<[0], [0], [1], [1], [0, 1, 1, 1], [], []>, transpose_lhs_hint = false} : vector<33x2048xbf16>, vector<33x1024xbf16>, vector<2048x1024xf32> -> vector<2048x1024xf32>
      %get3A_13 = arith.constant 0 : index
      %get3A_14 = arith.constant 0 : index
      %get3A_15 = vector.load %arg6[%get3A_13, %get3A_14] : memref<1x1024xf32, #tpu.memory_space<vmem>>, vector<1x1024xf32>
      %sub3A = vector.broadcast %get3A_15 : vector<1x1024xf32> to vector<2048x1024xf32>
      %sub3A_16 = arith.subf %dot_general3A_12, %sub3A : vector<2048x1024xf32>
      %exp23A = math.exp2 %sub3A_16 : vector<2048x1024xf32>
      %swap3A = arith.constant 0 : index
      %swap3A_17 = arith.constant 0 : index
      %swap3A_18 = vector.load %arg4[%swap3A, %swap3A_17] : memref<2048x1024xf32, #tpu.memory_space<vmem>>, vector<2048x1024xf32>
      tpu.vector_store %arg4[%swap3A, %swap3A_17], %exp23A {strides = array<i32>} : memref<2048x1024xf32, #tpu.memory_space<vmem>>, vector<2048x1024xf32>,
    } else {
    }
    return
  }
  func.func @transform_0(%arg0: i32, %arg1: i32) -> (i32, i32) {
    %c0_i32 = arith.constant 0 : i32
    %c0_i32_0 = arith.constant 0 : i32
    return %c0_i32, %arg1 : i32, i32
  }
  func.func @transform_1(%arg0: i32, %arg1: i32) -> (i32, i32) {
    %c0_i32 = arith.constant 0 : i32
    %c0_i32_0 = arith.constant 0 : i32
    %c0_i32_1 = arith.constant 0 : i32
    return %c0_i32, %c0_i32_0 : i32, i32
  }
  func.func @transform_2(%arg0: i32, %arg1: i32) -> (i32, i32) {
    %mul3A = arith.muli %arg1, %arg0 : i32
    %c0_i32 = arith.constant 0 : i32
    %c0_i32_0 = arith.constant 0 : i32
    return %mul3A, %c0_i32 : i32, i32
  }
}

</mosaic_0001>

<sc_bundles>
// kernel: kernel.4.cloned.1.call-start
scs
__scs_entry_jumppad:
0x0: {  	(pc) =	sbr.rel $0x88, $3  }
0x1: {  	(tag) =	ssettag $0x0;
	lr =	simm.s32 $0x1  }
0x2: {  	[smem:$0x3F9D] =	sst lr;
	_ =	strace $0xD0000000  }
0x3: {  	_ = 	snop  }
0x4: {  	_ = 	snop  }
0x5: {  	_ = 	snop  }
0x6: {  	_ = 	snop  }
0x7: {  	_ = 	snop  }
__scs_overlays_trampoline_lowered:
0x8: {  	[smem:$0x3FAC] =	sst s0  }
0x9: {  	[smem:$0x3FAD] =	sst s1  }
0xa: {  	[smem:$0x3FAE] =	sst s2  }
0xb: {  	[smem:$0x3FAF] =	sst s3  }
0xc: {  	[smem:$0x3FB0] =	sst s4  }
0xd: {  	[smem:$0x3FB1] =	sst s5  }
0xe: {  	[smem:$0x3FB2] =	sst s6  }
0xf: {  	[smem:$0x3FB3] =	sst s7  }
0x10: {  	[smem:$0x3FB4] =	sst s8  }
0x11: {  	[smem:$0x3FB5] =	sst s9;
	s0 =	simm.s32 @!p0 $0x0  }
0x12: {  	s1 =	sld [smem:$0x3F9B];
	s0 =	simm.s32 @p0 $0x1  }
0x13: {  	[smem:$0x3FB6] =	sst s0;
	s0 =	simm.s32 @!p1 $0x0  }
0x14: {  	s2 =	sld [smem:$0x3F9A];
	s0 =	simm.s32 @p1 $0x1  }
0x15: {  	[smem:$0x3FB7] =	sst s0;
	s0 =	simm.s32 @!p2 $0x0  }
0x16: {  	s3 =	sld [smem:$0x3FDB];
	s0 =	simm.s32 @p2 $0x1  }
0x17: {  	s4 =	simm.s32 $0x1BF5;
	[smem:$0x3FB9] =	sst s0  }
0x18: {  	s0 =	sld [smem:$0x3F9C];
	_ =	swait.ge [sflag:s4], $0x0  }
0x19: {  	s7 =	sld [smem:$0x3F9D]  }
0x1a: {  	s8 =	sadd.s32 $0xFFFFE003, lr  }
0x1b: {  	s9 =	sadd.s32 $0xFFFFFEF7, lr;
	s5 =	simm.s32 $0xFFFFFFFF;
	p2 =	slt.u32 s8, $0xFFFFF086  }
0x1c: {  	p1 =	slt.u32 s9, $0xF7A;
	s5 =	simm.s32 @!p2 $0x0  }
0x1d: {  	s5 =	simm.s32 @p1 $0x1;
	p0 =	seq.s32 s7, s2  }
0x1e: {  	s7 =	smul.u32 @!p0 $0xF7A, s2;
	p2 =	seq.s32 @!p0 s5, $0x0  }
0x1f: {  	s9 =	smul.u32 $0xF7A, s1;
	s8 =	simm.s32 @!p0 $0x1BF5;
	p2 =	por !p2, p0  }
0x20: {  	[sflag:s8] =	ssyncset.s32 @!p0 $0xFFFFF086;
	s6 =	sadd.s32 @!p0 s3, s7;
	s7 =	simm.s32 @!p0 $0x108  }
0x21: {  	s3 =	sadd.s32 s3, s9;
	s6 =	sadd.s32 @!p0 $0x88, s6;
	s7 =	simm.s32 @p2 $0x1082  }
0x22: {  	[simem:s7], [sflag:s8] =	dma.local @!p0 [hbm:s6], $0xF7A  }
0x23: {  	s9 =	sor.u32 $0xD0000000, s2;
	s6 =	simm.s32 $0x108;
	_ =	swait.ge @!p0 [sflag:s8], $0x0  }
0x24: {  	s3 =	sadd.s32 $0x88, s3;
	s6 =	simm.s32 @!p1 $0x1082;
	[sflag:s4] =	ssyncset.s32 $0xFFFFF086  }
0x25: {  	[simem:s6], [sflag:s4] =	dma.local [hbm:s3], $0xF7A  }
0x26: {  	[smem:$0x3F9D] =	sst s1;
	(tag) =	ssettag s2;
	_ =	strace s9  }
0x27: {  	s1 =	sld [smem:$0x3FAD]  }
0x28: {  	s2 =	sld [smem:$0x3FAE]  }
0x29: {  	s4 =	sld [smem:$0x3FB0]  }
0x2a: {  	p0 =	seq.s32 s5, $0x0;
	s5 =	sld [smem:$0x3FB1]  }
0x2b: {  	s6 =	sld [smem:$0x3FB2]  }
0x2c: {  	s7 =	sld [smem:$0x3FB3]  }
0x2d: {  	s3 =	simm.s32 $0x108;
	s8 =	sld [smem:$0x3FB4]  }
0x2e: {  	s3 =	simm.s32 @!p0 $0x1082;
	s9 =	sld [smem:$0x3FB5]  }
0x2f: {  	lr =	sadd.s32 s0, s3;
	s0 =	sld [smem:$0x3FAC]  }
0x30: {  	s3 =	sld [smem:$0x3FAF]  }
0x31: {  	[smem:$0x3FB8] =	sst s10  }
0x32: {  	s10 =	sld [smem:$0x3FB6];
	_ =	sdelay $0x3  }
0x33: {  	p0 =	seq.s32 s10, $0x1;
	s10 =	sld [smem:$0x3FB8];
	_ =	sdelay $0x3  }
0x34: {  	[smem:$0x3FB8] =	sst s10  }
0x35: {  	s10 =	sld [smem:$0x3FB7];
	_ =	sdelay $0x3  }
0x36: {  	p1 =	seq.s32 s10, $0x1;
	s10 =	sld [smem:$0x3FB8];
	_ =	sdelay $0x3  }
0x37: {  	[smem:$0x3FB8] =	sst s10  }
0x38: {  	s10 =	sld [smem:$0x3FB9]  }
0x39: {  	_ = 	snop;
	(pc) =	sbr.ind lr, $3  }
0x3a: {  	_ = 	snop  }
0x3b: {  	_ = 	snop  }
0x3c: {  	p2 =	seq.s32 s10, $0x1;
	s10 =	sld [smem:$0x3FB8]  }
0x3d: {  	_ =	shalt  }
0x3e: {  	_ =	shalt  }
0x3f: {  	_ =	shalt  }
0x40: {  	_ =	shalt  }
0x41: {  	_ =	shalt  }
0x42: {  	_ =	shalt  }
0x43: {  	_ =	shalt  }
0x44: {  	_ =	shalt  }
0x45: {  	_ =	shalt  }
0x46: {  	_ =	shalt  }
0x47: {  	_ =	shalt  }
0x48: {  	_ =	shalt  }
0x49: {  	_ =	shalt  }
0x4a: {  	_ =	shalt  }
0x4b: {  	_ =	shalt  }
0x4c: {  	_ =	shalt  }
0x4d: {  	_ =	shalt  }
0x4e: {  	_ =	shalt  }
0x4f: {  	_ =	shalt  }
0x50: {  	_ =	shalt  }
0x51: {  	_ =	shalt  }
0x52: {  	_ =	shalt  }
0x53: {  	_ =	shalt  }
0x54: {  	_ =	shalt  }
0x55: {  	_ =	shalt  }
0x56: {  	_ =	shalt  }
0x57: {  	_ =	shalt  }
0x58: {  	_ =	shalt  }
0x59: {  	_ =	shalt  }
0x5a: {  	_ =	shalt  }
0x5b: {  	_ =	shalt  }
0x5c: {  	_ =	shalt  }
0x5d: {  	_ =	shalt  }
0x5e: {  	_ =	shalt  }
0x5f: {  	_ =	shalt  }
0x60: {  	_ =	shalt  }
0x61: {  	_ =	shalt  }
0x62: {  	_ =	shalt  }
0x63: {  	_ =	shalt  }
0x64: {  	_ =	shalt  }
0x65: {  	_ =	shalt  }
0x66: {  	_ =	shalt  }
0x67: {  	_ =	shalt  }
0x68: {  	_ =	shalt  }
0x69: {  	_ =	shalt  }
0x6a: {  	_ =	shalt  }
0x6b: {  	_ =	shalt  }
0x6c: {  	_ =	shalt  }
0x6d: {  	_ =	shalt  }
0x6e: {  	_ =	shalt  }
0x6f: {  	_ =	shalt  }
0x70: {  	_ =	shalt  }
0x71: {  	_ =	shalt  }
0x72: {  	_ =	shalt  }
0x73: {  	_ =	shalt  }
0x74: {  	_ =	shalt  }
0x75: {  	_ =	shalt  }
0x76: {  	_ =	shalt  }
0x77: {  	_ =	shalt  }
0x78: {  	_ =	shalt  }
0x79: {  	_ =	shalt  }
0x7a: {  	_ =	shalt  }
0x7b: {  	_ =	shalt  }
0x7c: {  	_ =	shalt  }
0x7d: {  	_ =	shalt  }
0x7e: {  	_ =	shalt  }
0x7f: {  	_ =	shalt  }
0x80: {  	_ =	shalt  }
0x81: {  	_ =	shalt  }
0x82: {  	_ =	shalt  }
0x83: {  	_ =	shalt  }
0x84: {  	_ =	shalt  }
0x85: {  	_ =	shalt  }
0x86: {  	_ =	shalt  }
0x87: {  	_ =	shalt  }
.Lfunc_end0:
.L_simem_size_0:
called_computation_lowered:
.L_overlay_start_0:
0x88: {  	s2 =	sld [smem:$0x3FD9]  }
0x89: {  	s3 =	sld [smem:$0x3FFE];
	_ =	sdelay $0x1  }
0x8a: {  	s1 =	srdreg.scid  }
0x8b: {  	s0 =	sand.u32 $0x1, s1  }
0x8c: {  	s17 =	sshll.u32 s0, $0xA;
	s2 =	sadd.s32 s3, s2  }
0x8d: {  	s2 =	sadd.s32 s2, s17  }
0x8e: {  	[smem:$0x3FC4] =	sst s2  }
0x8f: {  	_ = 	snop  }
0x90: {  	s2 =	sld [smem:$0x3FC9]  }
0x91: {  	s18 =	sld [smem:$0x3FD0];
	(tm) =	ssettm $0x1  }
0x92: {  	s4 =	sld [smem:$0x3FFB];
	_ =	sdelay $0x3  }
0x93: {  	_ =	strace s4  }
0x94: {  	s4 =	sld [smem:$0x3FFC];
	_ =	sdelay $0x3  }
0x95: {  	_ =	strace s4  }
0x96: {  	s4 =	sld [smem:$0x3FFD];
	_ =	sdelay $0x3  }
0x97: {  	_ =	strace s4  }
0x98: {  	_ =	strace $0x8FFFFFFF  }
0x99: {  	s19 =	sld [smem:$0x3FDB];
	_ =	sdelay $0x1  }
0x9a: {  	s5 =	simm.s32 $_scs_section_size  }
0x9b: {  	s6 =	simm.s32 $_size__tile_overlayer_lowered;
	s7 =	simm.s32 $_tile_overlayer_lowered  }
0x9c: {  	s22 =	simm.s32 $0x1BFF;
	s21 =	sshll.u32 s7, $0x1;
	s4 =	sadd.s32 s5, s19  }
0x9d: {  	s8 =	simm.s32 $0x0;
	s20 =	sshll.u32 s6, $0x1;
	s6 =	sadd.s32 s21, s4  }
0x9e: {  	[timem:s8], [sflag:s22] =	dma.local [hbm:s6], s20  }
0x9f: {  	_ =	swait.ge [sflag:s22], s20  }
0xa0: {  	s5 =	ssub.s32 $0x0, s20;
	[sflag:s22] =	ssyncset.done $0x0  }
0xa1: {  	[sflag:s22] =	ssyncadd.s32 s5;
	_ =	sdelay $0x1  }
0xa2: {  	s23 =	simm.s32 $0x1B8B  }
0xa3: {  	_ =	swait.ge [sflag:s23], $0x1  }
0xa4: {  	[sflag:s23] =	ssyncset.done $0x0  }
0xa5: {  	s25 =	simm.s32 $0x1B8E;
	s24 =	sld [smem:$0x3FFE];
	[sflag:s23] =	ssyncadd.s32 $0xFFFFFFFF  }
0xa6: {  	s26 =	simm.s32 $execute0_lowered;
	[smem:$0x3FD2] =	sst s25  }
0xa7: {  	s6 =	sshll.u32 s26, $0x1;
	_ =	strace $0x80000046;
	[dreg:$0x1] =	wrdreg $0xFFFFFFFF  }
0xa8: {  	s28 =	simm.s32 $_size_execute0_lowered;
	s4 =	sadd.s32 s4, s6;
	[dreg:$0x0] =	wrdreg $0x0  }
0xa9: {  	s6 =	sshll.u32 s28, $0x1;
	[dreg:$0x2] =	wrdreg s4  }
0xaa: {  	[dreg:$0x3] =	wrdreg s6  }
0xab: {  	[dreg:$0x4] =	wrdreg $0xC0  }
0xac: {  	_ =	task [dreg:s8], $0x5FFFF  }
0xad: {  	[dreg:$0x1] =	wrdreg $0xFFFFFFFF  }
0xae: {  	[dreg:$0x0] =	wrdreg $0x60  }
0xaf: {  	[dreg:$0x2] =	wrdreg s2  }
0xb0: {  	[dreg:$0x3] =	wrdreg s18  }
0xb1: {  	[dreg:$0x4] =	wrdreg s24  }
0xb2: {  	[dreg:$0x5] =	wrdreg $0x9  }
0xb3: {  	_ =	task.clear_ibuf [dreg:s8], $0x6FFFF;
	_ =	strace $0x90000046  }
0xb4: {  	s29 =	simm.s32 $0x9;
	_ =	strace $0x80000048  }
0xb5: {  	_ =	swait.ge [sflag:s29], $0x1  }
0xb6: {  	[sflag:s29] =	ssyncadd.s32 $0xFFFFFFFF  }
0xb7: {  	_ =	strace $0x90000048  }
0xb8: {  	_ =	sfence  }
0xb9: {  	s30 =	sld [smem:$0x0];
	_ =	sdelay $0x2  }
0xba: {  	s31 =	sshll.u32 s1, $0xD;
	s1 =	sshrl.u32 s1, $0x2  }
0xbb: {  	s3 =	sand.u32 $0x4000, s31;
	s1 =	sadd.s32 s1, s30  }
0xbc: {  	s0 =	sor.u32 s3, s0;
	s1 =	sshll.u32 s1, $0x11  }
0xbd: {  	s0 =	sor.u32 s1, s0  }
0xbe: {  	s0 =	sadd.s32 $0x8F2B, s0  }
0xbf: {  	[sflag:s0] =	ssyncadd.remote.s32 $0x1  }
0xc0: {  	_ =	sfence.sel $0xFFFF  }
0xc1: {  	[dreg:$0x0] =	wrdreg $0xFFFFFFFF;
	(pc) =	sbr.abs _section_cstart, $3  }
0xc2: {  	[dreg:$0x1] =	wrdreg $0xFFFFFFFF  }
0xc3: {  	_ =	task.clear_ibuf [dreg:s8], $0x2FFFF;
	_ =	strace $0x9FFFFFFF  }
0xc4: {  	(tm) =	ssettm $0x7FFFFFFF  }
0xc5: {  	_ =	shalt  }
tec
execute0_lowered:
.L_overlay_start_1:
0x0: {  	(tag) =	ssettag $0x1  }
0x1: {  	s6 =	rddreg [dreg:$0x0]  }
0x2: {  	s2 =	rddreg [dreg:$0x1]  }
0x3: {  	s4 =	rddreg [dreg:$0x2];
	s0 =	srdreg.scid;
	s3 =	simm.s32 $0x0  }
0x4: {  	s0 =	sand.u32 $0x1, s0;
	[smem:$0x7FF] =	sst s3  }
0x5: {  	s10 =	sadd.s32 $0x30D4, s2;
	[smem:$0x7FD] =	sst s0  }
0x6: {  	s11 =	sadd.s32 $0x61A8, s2;
	_ =	strace $0x80000047;
	[dreg:$0x5] =	wrdreg s10  }
0x7: {  	s12 =	sadd.s32 $0x927C, s2;
	[dreg:$0x6] =	wrdreg s11  }
0x8: {  	s13 =	sadd.s32 $0xC350, s2;
	[dreg:$0x7] =	wrdreg s12  }
0x9: {  	s14 =	sadd.s32 $0xF424, s2;
	[dreg:$0x8] =	wrdreg s13  }
0xa: {  	s15 =	sadd.s32 $0x124F8, s2;
	[dreg:$0x9] =	wrdreg s14  }
0xb: {  	s16 =	sadd.s32 $0x155CC, s2;
	[dreg:$0xa] =	wrdreg s15  }
0xc: {  	s17 =	sadd.s32 $0x186A0, s2;
	[dreg:$0xb] =	wrdreg s16  }
0xd: {  	s18 =	sadd.s32 $0x1B774, s2;
	[dreg:$0xc] =	wrdreg s17  }
0xe: {  	s19 =	sadd.s32 $0x1E848, s2;
	[dreg:$0xd] =	wrdreg s18  }
0xf: {  	s20 =	sadd.s32 $0x2191C, s2;
	[dreg:$0xe] =	wrdreg s19  }
0x10: {  	s21 =	sadd.s32 $0x249F0, s2;
	[dreg:$0xf] =	wrdreg s20  }
0x11: {  	s22 =	sadd.s32 $0x27AC4, s2;
	[dreg:$0x10] =	wrdreg s21  }
0x12: {  	s23 =	sadd.s32 $0x2AB98, s2;
	[dreg:$0x11] =	wrdreg s22  }
0x13: {  	s24 =	sadd.s32 $0x2DC6C, s2;
	[dreg:$0x12] =	wrdreg s23  }
0x14: {  	s25 =	sadd.s32 $0x30D40, s2;
	[dreg:$0x13] =	wrdreg s24  }
0x15: {  	s1 =	stileid.u32;
	s26 =	sadd.s32 $0x33E14, s2;
	[dreg:$0x14] =	wrdreg s25  }
0x16: {  	s7 =	sshll.u32 s0, $0x2;
	s0 =	sadd.s32 $0x36EE8, s2;
	[dreg:$0x15] =	wrdreg s26  }
0x17: {  	s5 =	sshll.u32 s1, $0x3;
	s1 =	sadd.s32 $0x39FBC, s2;
	[dreg:$0x16] =	wrdreg s0  }
0x18: {  	s8 =	sadd.s32 $0x40164, s2;
	[dreg:$0x17] =	wrdreg s1  }
0x19: {  	s9 =	sadd.s32 $0x43238, s2;
	[dreg:$0x19] =	wrdreg s8  }
0x1a: {  	s5 =	sor.u32 s7, s5;
	s7 =	sadd.s32 $0x3D090, s2;
	[dreg:$0x1a] =	wrdreg s9  }
0x1b: {  	s10 =	sadd.s32 $0x4630C, s2;
	[dreg:$0x18] =	wrdreg s7  }
0x1c: {  	s11 =	sadd.s32 $0x493E0, s2;
	[dreg:$0x1b] =	wrdreg s10  }
0x1d: {  	s12 =	sadd.s32 $0x4C4B4, s2;
	[dreg:$0x1c] =	wrdreg s11  }
0x1e: {  	s13 =	sadd.s32 $0x4F588, s2;
	[dreg:$0x1d] =	wrdreg s12  }
0x1f: {  	s14 =	sadd.s32 $0x5265C, s2;
	[dreg:$0x1e] =	wrdreg s13  }
0x20: {  	s15 =	sadd.s32 $0x55730, s2;
	[dreg:$0x1f] =	wrdreg s14  }
0x21: {  	s16 =	sadd.s32 $0x58804, s2;
	[smem:$0x7F9] =	sst s15  }
0x22: {  	s17 =	sadd.s32 $0x5B8D8, s2;
	[smem:$0x7FA] =	sst s16  }
0x23: {  	s18 =	sadd.s32 $0x5E9AC, s2;
	[smem:$0x7FB] =	sst s17  }
0x24: {  	s19 =	simm.s32 $0x40;
	[smem:$0x7FC] =	sst s18  }
0x25: {  	s20 =	simm.s32 $0x60;
	[smem:$0x7F6] =	sst s19  }
0x26: {  	s21 =	simm.s32 $0x80;
	[smem:$0x7F7] =	sst s20  }
0x27: {  	s22 =	simm.s32 $0xA0;
	[smem:$0x7F8] =	sst s21  }
0x28: {  	s23 =	simm.s32 $0xC0;
	[smem:$0x7F5] =	sst s22  }
0x29: {  	s24 =	simm.s32 $0xE0;
	[smem:$0x7F4] =	sst s23  }
0x2a: {  	s26 =	simm.s32 $0x100;
	[smem:$0x7F3] =	sst s24  }
0x2b: {  	s6 =	sadd.s32 s6, s5;
	s4 =	sadd.s32 s5, s4;
	[smem:$0x7F2] =	sst s26  }
0x2c: {  	[dreg:$0x4] =	wrdreg s6;
	s4 =	sadd.s32 $0x1600, s4  }
0x2d: {  	[smem:$0x7F1] =	sst s4  }
0x2e: {  	s25 =	rddreg [dreg:$0x4];
	s4 =	simm.s32 $0x2  }
0x2f: {  	[tilespmem:s3], [sflag:$0x2] =	stream.linear.gather [hbm4b:s25+s3], $0x20, $0x38;
	[tilespmem:$0x420] =	vst v63  }
0x30: {  	_ =	swait.ge [sflag:s4], $0x20  }
0x31: {  	s0 =	sld [smem:$0x7F2]  }
0x32: {  	s1 =	sld [smem:$0x7F3]  }
0x33: {  	s8 =	sld [smem:$0x7F4]  }
0x34: {  	s9 =	sld [smem:$0x7F5]  }
0x35: {  	s11 =	rddreg [dreg:$0x6]  }
0x36: {  	[sflag:s4] =	ssyncset.done $0x0;
	s12 =	rddreg [dreg:$0x5]  }
0x37: {  	s5 =	simm.s32 $0x20;
	s13 =	sld [smem:$0x7F6];
	[sflag:s4] =	ssyncadd.s32 $0xFFFFFFE0  }
0x38: {  	[tilespmem:s5], [sflag:$0x1] =	stream.indirect.gather [hbm4b:s2+s5], $0x1, s3, s5, $0xb8;
	[tilespmem:$0x420] =	vst v63  }
0x39: {  	s14 =	sld [smem:$0x7F7]  }
0x3a: {  	[tilespmem:s13], [sflag:$0x1] =	stream.indirect.gather [hbm4b:s12+s5], $0x1, s3, s5, $0xb8;
	[tilespmem:$0x420] =	vst v63  }
0x3b: {  	s13 =	sld [smem:$0x7F8]  }
0x3c: {  	[tilespmem:s14], [sflag:$0x1] =	stream.indirect.gather [hbm4b:s11+s5], $0x1, s3, s5, $0xb8;
	[tilespmem:$0x420] =	vst v63  }
0x3d: {  	s10 =	rddreg [dreg:$0x7]  }
0x3e: {  	[tilespmem:s13], [sflag:$0x1] =	stream.indirect.gather [hbm4b:s10+s5], $0x1, s3, s5, $0xb8;
	[tilespmem:$0x420] =	vst v63  }
0x3f: {  	s14 =	rddreg [dreg:$0x8]  }
0x40: {  	[tilespmem:s9], [sflag:$0x1] =	stream.indirect.gather [hbm4b:s14+s5], $0x1, s3, s5, $0xb8;
	[tilespmem:$0x420] =	vst v63  }
0x41: {  	s15 =	rddreg [dreg:$0x9]  }
0x42: {  	[tilespmem:s8], [sflag:$0x1] =	stream.indirect.gather [hbm4b:s15+s5], $0x1, s3, s5, $0xb8;
	[tilespmem:$0x420] =	vst v63  }
0x43: {  	s16 =	rddreg [dreg:$0xa]  }
0x44: {  	[tilespmem:s1], [sflag:$0x1] =	stream.indirect.gather [hbm4b:s16+s5], $0x1, s3, s5, $0xb8;
	[tilespmem:$0x420] =	vst v63  }
0x45: {  	s17 =	rddreg [dreg:$0xb]  }
0x46: {  	[tilespmem:s0], [sflag:$0x1] =	stream.indirect.gather [hbm4b:s17+s5], $0x1, s3, s5, $0xb8;
	[tilespmem:$0x420] =	vst v63  }
0x47: {  	s19 =	simm.s32 $0x120;
	s18 =	rddreg [dreg:$0xc]  }
0x48: {  	[tilespmem:s19], [sflag:$0x1] =	stream.indirect.gather [hbm4b:s18+s5], $0x1, s3, s5, $0xb8;
	[tilespmem:$0x420] =	vst v63  }
0x49: {  	s21 =	simm.s32 $0x140;
	s20 =	rddreg [dreg:$0xd]  }
0x4a: {  	[tilespmem:s21], [sflag:$0x1] =	stream.indirect.gather [hbm4b:s20+s5], $0x1, s3, s5, $0xb8;
	[tilespmem:$0x420] =	vst v63  }
0x4b: {  	s23 =	simm.s32 $0x160;
	s22 =	rddreg [dreg:$0xe]  }
0x4c: {  	[tilespmem:s23], [sflag:$0x1] =	stream.indirect.gather [hbm4b:s22+s5], $0x1, s3, s5, $0xb8;
	[tilespmem:$0x420] =	vst v63  }
0x4d: {  	s25 =	simm.s32 $0x180;
	s24 =	rddreg [dreg:$0xf]  }
0x4e: {  	[tilespmem:s25], [sflag:$0x1] =	stream.indirect.gather [hbm4b:s24+s5], $0x1, s3, s5, $0xb8;
	[tilespmem:$0x420] =	vst v63  }
0x4f: {  	s26 =	rddreg [dreg:$0x10];
	s1 =	simm.s32 $0x1A0  }
0x50: {  	[tilespmem:s1], [sflag:$0x1] =	stream.indirect.gather [hbm4b:s26+s5], $0x1, s3, s5, $0xb8;
	[tilespmem:$0x420] =	vst v63  }
0x51: {  	s6 =	simm.s32 $0x1C0;
	s2 =	rddreg [dreg:$0x11]  }
0x52: {  	[tilespmem:s6], [sflag:$0x1] =	stream.indirect.gather [hbm4b:s2+s5], $0x1, s3, s5, $0xb8;
	[tilespmem:$0x420] =	vst v63  }
0x53: {  	s7 =	rddreg [dreg:$0x12];
	s8 =	simm.s32 $0x1E0  }
0x54: {  	[tilespmem:s8], [sflag:$0x1] =	stream.indirect.gather [hbm4b:s7+s5], $0x1, s3, s5, $0xb8;
	[tilespmem:$0x420] =	vst v63  }
0x55: {  	s13 =	simm.s32 $0x1;
	s14 =	simm.s32 $0x200;
	s15 =	rddreg [dreg:$0x13]  }
0x56: {  	[tilespmem:s14], [sflag:$0x1] =	stream.indirect.gather [hbm4b:s15+s5], $0x1, s3, s5, $0xb8;
	[tilespmem:$0x420] =	vst v63  }
0x57: {  	_ =	swait.ge [sflag:s13], $0x20  }
0x58: {  	[sflag:s13] =	ssyncset.done $0x0  }
0x59: {  	[sflag:s13] =	ssyncadd.s32 $0xFFFFFFE0  }
0x5a: {  	_ =	swait.ge [sflag:s13], $0x20  }
0x5b: {  	[sflag:s13] =	ssyncset.done $0x0  }
0x5c: {  	[sflag:s13] =	ssyncadd.s32 $0xFFFFFFE0  }
0x5d: {  	_ =	swait.ge [sflag:s13], $0x20  }
0x5e: {  	[sflag:s13] =	ssyncset.done $0x0  }
0x5f: {  	[sflag:s13] =	ssyncadd.s32 $0xFFFFFFE0  }
0x60: {  	_ =	swait.ge [sflag:s13], $0x20  }
0x61: {  	[sflag:s13] =	ssyncset.done $0x0  }
0x62: {  	[sflag:s13] =	ssyncadd.s32 $0xFFFFFFE0  }
0x63: {  	_ =	swait.ge [sflag:s13], $0x20  }
0x64: {  	[sflag:s13] =	ssyncset.done $0x0  }
0x65: {  	[sflag:s13] =	ssyncadd.s32 $0xFFFFFFE0  }
0x66: {  	_ =	swait.ge [sflag:s13], $0x20  }
0x67: {  	[sflag:s13] =	ssyncset.done $0x0  }
0x68: {  	[sflag:s13] =	ssyncadd.s32 $0xFFFFFFE0  }
0x69: {  	_ =	swait.ge [sflag:s13], $0x20  }
0x6a: {  	[sflag:s13] =	ssyncset.done $0x0  }
0x6b: {  	[sflag:s13] =	ssyncadd.s32 $0xFFFFFFE0  }
0x6c: {  	_ =	swait.ge [sflag:s13], $0x20  }
0x6d: {  	[sflag:s13] =	ssyncset.done $0x0  }
0x6e: {  	[sflag:s13] =	ssyncadd.s32 $0xFFFFFFE0  }
0x6f: {  	_ =	swait.ge [sflag:s13], $0x20  }
0x70: {  	[sflag:s13] =	ssyncset.done $0x0  }
0x71: {  	[sflag:s13] =	ssyncadd.s32 $0xFFFFFFE0  }
0x72: {  	_ =	swait.ge [sflag:s13], $0x20  }
0x73: {  	[sflag:s13] =	ssyncset.done $0x0  }
0x74: {  	[sflag:s13] =	ssyncadd.s32 $0xFFFFFFE0  }
0x75: {  	_ =	swait.ge [sflag:s13], $0x20  }
0x76: {  	[sflag:s13] =	ssyncset.done $0x0  }
0x77: {  	[sflag:s13] =	ssyncadd.s32 $0xFFFFFFE0  }
0x78: {  	_ =	swait.ge [sflag:s13], $0x20  }
0x79: {  	[sflag:s13] =	ssyncset.done $0x0  }
0x7a: {  	[sflag:s13] =	ssyncadd.s32 $0xFFFFFFE0  }
0x7b: {  	_ =	swait.ge [sflag:s13], $0x20  }
0x7c: {  	[sflag:s13] =	ssyncset.done $0x0  }
0x7d: {  	[sflag:s13] =	ssyncadd.s32 $0xFFFFFFE0  }
0x7e: {  	_ =	swait.ge [sflag:s13], $0x20  }
0x7f: {  	[sflag:s13] =	ssyncset.done $0x0  }
0x80: {  	[sflag:s13] =	ssyncadd.s32 $0xFFFFFFE0  }
0x81: {  	_ =	swait.ge [sflag:s13], $0x20  }
0x82: {  	[sflag:s13] =	ssyncset.done $0x0  }
0x83: {  	[sflag:s13] =	ssyncadd.s32 $0xFFFFFFE0  }
0x84: {  	_ =	swait.ge [sflag:s13], $0x20  }
0x85: {  	s16 =	rddreg [dreg:$0x14];
	[sflag:s13] =	ssyncset.done $0x0  }
0x86: {  	s15 =	simm.s32 $0x220;
	s17 =	rddreg [dreg:$0x15];
	[sflag:s13] =	ssyncadd.s32 $0xFFFFFFE0  }
0x87: {  	[tilespmem:s15], [sflag:$0x1] =	stream.indirect.gather [hbm4b:s16+s5], $0x1, s3, s5, $0xb8;
	[tilespmem:$0x420] =	vst v63  }
0x88: {  	s18 =	rddreg [dreg:$0x16];
	s16 =	simm.s32 $0x240  }
0x89: {  	[tilespmem:s16], [sflag:$0x1] =	stream.indirect.gather [hbm4b:s17+s5], $0x1, s3, s5, $0xb8;
	[tilespmem:$0x420] =	vst v63  }
0x8a: {  	s19 =	rddreg [dreg:$0x17];
	s17 =	simm.s32 $0x260  }
0x8b: {  	[tilespmem:s17], [sflag:$0x1] =	stream.indirect.gather [hbm4b:s18+s5], $0x1, s3, s5, $0xb8;
	[tilespmem:$0x420] =	vst v63  }
0x8c: {  	s20 =	rddreg [dreg:$0x18];
	s18 =	simm.s32 $0x280  }
0x8d: {  	[tilespmem:s18], [sflag:$0x1] =	stream.indirect.gather [hbm4b:s19+s5], $0x1, s3, s5, $0xb8;
	[tilespmem:$0x420] =	vst v63  }
0x8e: {  	s21 =	rddreg [dreg:$0x19];
	s19 =	simm.s32 $0x2A0  }
0x8f: {  	[tilespmem:s19], [sflag:$0x1] =	stream.indirect.gather [hbm4b:s20+s5], $0x1, s3, s5, $0xb8;
	[tilespmem:$0x420] =	vst v63  }
0x90: {  	s22 =	rddreg [dreg:$0x1a];
	s20 =	simm.s32 $0x2C0  }
0x91: {  	[tilespmem:s20], [sflag:$0x1] =	stream.indirect.gather [hbm4b:s21+s5], $0x1, s3, s5, $0xb8;
	[tilespmem:$0x420] =	vst v63  }
0x92: {  	s23 =	rddreg [dreg:$0x1b];
	s21 =	simm.s32 $0x2E0  }
0x93: {  	[tilespmem:s21], [sflag:$0x1] =	stream.indirect.gather [hbm4b:s22+s5], $0x1, s3, s5, $0xb8;
	[tilespmem:$0x420] =	vst v63  }
0x94: {  	s24 =	rddreg [dreg:$0x1c];
	s22 =	simm.s32 $0x300  }
0x95: {  	[tilespmem:s22], [sflag:$0x1] =	stream.indirect.gather [hbm4b:s23+s5], $0x1, s3, s5, $0xb8;
	[tilespmem:$0x420] =	vst v63  }
0x96: {  	s25 =	rddreg [dreg:$0x1d];
	s23 =	simm.s32 $0x320  }
0x97: {  	[tilespmem:s23], [sflag:$0x1] =	stream.indirect.gather [hbm4b:s24+s5], $0x1, s3, s5, $0xb8;
	[tilespmem:$0x420] =	vst v63  }
0x98: {  	s26 =	rddreg [dreg:$0x1e];
	s24 =	simm.s32 $0x340  }
0x99: {  	[tilespmem:s24], [sflag:$0x1] =	stream.indirect.gather [hbm4b:s25+s5], $0x1, s3, s5, $0xb8;
	[tilespmem:$0x420] =	vst v63  }
0x9a: {  	s28 =	rddreg [dreg:$0x1f];
	s25 =	simm.s32 $0x360  }
0x9b: {  	[tilespmem:s25], [sflag:$0x1] =	stream.indirect.gather [hbm4b:s26+s5], $0x1, s3, s5, $0xb8;
	[tilespmem:$0x420] =	vst v63  }
0x9c: {  	s29 =	sld [smem:$0x7F9];
	s26 =	simm.s32 $0x380  }
0x9d: {  	[tilespmem:s26], [sflag:$0x1] =	stream.indirect.gather [hbm4b:s28+s5], $0x1, s3, s5, $0xb8;
	[tilespmem:$0x420] =	vst v63  }
0x9e: {  	s30 =	sld [smem:$0x7FA];
	s28 =	simm.s32 $0x3A0  }
0x9f: {  	[tilespmem:s28], [sflag:$0x1] =	stream.indirect.gather [hbm4b:s29+s5], $0x1, s3, s5, $0xb8;
	[tilespmem:$0x420] =	vst v63  }
0xa0: {  	s9 =	sld [smem:$0x7FB];
	s29 =	simm.s32 $0x3C0  }
0xa1: {  	[tilespmem:s29], [sflag:$0x1] =	stream.indirect.gather [hbm4b:s30+s5], $0x1, s3, s5, $0xb8;
	[tilespmem:$0x420] =	vst v63  }
0xa2: {  	s31 =	simm.s32 $0x3E0;
	s10 =	sld [smem:$0x7FC]  }
0xa3: {  	[tilespmem:s31], [sflag:$0x1] =	stream.indirect.gather [hbm4b:s9+s5], $0x1, s3, s5, $0xb8;
	[tilespmem:$0x420] =	vst v63  }
0xa4: {  	s30 =	simm.s32 $0x400  }
0xa5: {  	[tilespmem:s30], [sflag:$0x1] =	stream.indirect.gather [hbm4b:s10+s5], $0x1, s3, s5, $0xb8;
	[tilespmem:$0x420] =	vst v63  }
0xa6: {  	_ =	swait.ge [sflag:s13], $0x20  }
0xa7: {  	[sflag:s13] =	ssyncset.done $0x0  }
0xa8: {  	[sflag:s13] =	ssyncadd.s32 $0xFFFFFFE0  }
0xa9: {  	_ =	swait.ge [sflag:s13], $0x20  }
0xaa: {  	[sflag:s13] =	ssyncset.done $0x0  }
0xab: {  	[sflag:s13] =	ssyncadd.s32 $0xFFFFFFE0  }
0xac: {  	_ =	swait.ge [sflag:s13], $0x20  }
0xad: {  	[sflag:s13] =	ssyncset.done $0x0  }
0xae: {  	[sflag:s13] =	ssyncadd.s32 $0xFFFFFFE0  }
0xaf: {  	_ =	swait.ge [sflag:s13], $0x20  }
0xb0: {  	[sflag:s13] =	ssyncset.done $0x0  }
0xb1: {  	[sflag:s13] =	ssyncadd.s32 $0xFFFFFFE0  }
0xb2: {  	_ =	swait.ge [sflag:s13], $0x20  }
0xb3: {  	[sflag:s13] =	ssyncset.done $0x0  }
0xb4: {  	[sflag:s13] =	ssyncadd.s32 $0xFFFFFFE0  }
0xb5: {  	_ =	swait.ge [sflag:s13], $0x20  }
0xb6: {  	[sflag:s13] =	ssyncset.done $0x0  }
0xb7: {  	[sflag:s13] =	ssyncadd.s32 $0xFFFFFFE0  }
0xb8: {  	_ =	swait.ge [sflag:s13], $0x20  }
0xb9: {  	[sflag:s13] =	ssyncset.done $0x0  }
0xba: {  	[sflag:s13] =	ssyncadd.s32 $0xFFFFFFE0  }
0xbb: {  	_ =	swait.ge [sflag:s13], $0x20  }
0xbc: {  	[sflag:s13] =	ssyncset.done $0x0  }
0xbd: {  	[sflag:s13] =	ssyncadd.s32 $0xFFFFFFE0  }
0xbe: {  	_ =	swait.ge [sflag:s13], $0x20  }
0xbf: {  	[sflag:s13] =	ssyncset.done $0x0  }
0xc0: {  	[sflag:s13] =	ssyncadd.s32 $0xFFFFFFE0  }
0xc1: {  	_ =	swait.ge [sflag:s13], $0x20  }
0xc2: {  	[sflag:s13] =	ssyncset.done $0x0  }
0xc3: {  	[sflag:s13] =	ssyncadd.s32 $0xFFFFFFE0  }
0xc4: {  	_ =	swait.ge [sflag:s13], $0x20  }
0xc5: {  	[sflag:s13] =	ssyncset.done $0x0  }
0xc6: {  	[sflag:s13] =	ssyncadd.s32 $0xFFFFFFE0  }
0xc7: {  	_ =	swait.ge [sflag:s13], $0x20  }
0xc8: {  	[sflag:s13] =	ssyncset.done $0x0  }
0xc9: {  	[sflag:s13] =	ssyncadd.s32 $0xFFFFFFE0  }
0xca: {  	_ =	swait.ge [sflag:s13], $0x20  }
0xcb: {  	[sflag:s13] =	ssyncset.done $0x0  }
0xcc: {  	[sflag:s13] =	ssyncadd.s32 $0xFFFFFFE0  }
0xcd: {  	_ =	swait.ge [sflag:s13], $0x20  }
0xce: {  	s11 =	sld [smem:$0x7FD];
	_ =	sdelay $0x2  }
0xcf: {  	s0 =	ssub.s32 $0x2, s11  }
0xd0: {  	s12 =	sshrl.u32 s0, $0x1  }
0xd1: {  	s0 =	ssub.s32 s0, s12  }
0xd2: {  	s0 =	smax.u32 s0, $0x1  }
0xd3: {  	[sflag:s13] =	ssyncset.done $0x0;
	p0 =	sne.s32 s0, $0x1  }
.Ltmp0:
0xd4: {  	[sflag:s13] =	ssyncadd.s32 $0xFFFFFFE0;
	(pc) =	sbr.rel @!p0 .LBB2_2-.Ltmp0, $4  }
0xd5: {  	_ =	swait.ge [sflag:s13], $0x20  }
0xd6: {  	[sflag:s13] =	ssyncset.done $0x0  }
0xd7: {  	[sflag:s13] =	ssyncadd.s32 $0xFFFFFFE0  }
0xd8: {  	_ =	swait.ge [sflag:s13], $0x20;
	s0 =	sadd.s32 $0xFFFFFFFF, s0  }
.LBB2_1:
0xd9: {  	s1 =	sld [smem:$0x7F1]  }
0xda: {  	[sflag:s13] =	ssyncset.done $0x0  }
0xdb: {  	[sflag:s13] =	ssyncadd.s32 $0xFFFFFFE0  }
0xdc: {  	[hbm4b:s1+s5] =	stream.strided.scatter [tilespmem:s5], [sflag:$0x2], $0x400, s30, s5, $0x38;
	[tilespmem:$0x420] =	vst v63  }
0xdd: {  	_ =	swait.ge [sflag:s4], $0x400  }
0xde: {  	[sflag:s4] =	ssyncset.done $0x0  }
0xdf: {  	s10 =	rddreg [dreg:$0x4];
	[sflag:s4] =	ssyncadd.s32 $0xFFFFFC00  }
0xe0: {  	[tilespmem:s3], [sflag:$0x2] =	stream.linear.gather [hbm4b:s10+s3], $0x20, $0x38;
	[tilespmem:$0x420] =	vst v63  }
0xe1: {  	_ =	swait.ge [sflag:s4], $0x20  }
0xe2: {  	s1 =	sld [smem:$0x7F2]  }
0xe3: {  	s2 =	sld [smem:$0x7F3]  }
0xe4: {  	s6 =	sld [smem:$0x7F4]  }
0xe5: {  	s7 =	sld [smem:$0x7F5]  }
0xe6: {  	s9 =	rddreg [dreg:$0x6]  }
0xe7: {  	[sflag:s4] =	ssyncset.done $0x0;
	s10 =	rddreg [dreg:$0x5]  }
0xe8: {  	s11 =	sld [smem:$0x7F6];
	[sflag:s4] =	ssyncadd.s32 $0xFFFFFFE0  }
0xe9: {  	s12 =	rddreg [dreg:$0x1]  }
0xea: {  	[tilespmem:s5], [sflag:$0x1] =	stream.indirect.gather [hbm4b:s12+s5], $0x1, s3, s5, $0xb8;
	[tilespmem:$0x420] =	vst v63  }
0xeb: {  	s12 =	sld [smem:$0x7F7]  }
0xec: {  	[tilespmem:s11], [sflag:$0x1] =	stream.indirect.gather [hbm4b:s10+s5], $0x1, s3, s5, $0xb8;
	[tilespmem:$0x420] =	vst v63  }
0xed: {  	s11 =	sld [smem:$0x7F8]  }
0xee: {  	[tilespmem:s12], [sflag:$0x1] =	stream.indirect.gather [hbm4b:s9+s5], $0x1, s3, s5, $0xb8;
	[tilespmem:$0x420] =	vst v63  }
0xef: {  	s8 =	rddreg [dreg:$0x7]  }
0xf0: {  	[tilespmem:s11], [sflag:$0x1] =	stream.indirect.gather [hbm4b:s8+s5], $0x1, s3, s5, $0xb8;
	[tilespmem:$0x420] =	vst v63  }
0xf1: {  	s12 =	rddreg [dreg:$0x8]  }
0xf2: {  	[tilespmem:s7], [sflag:$0x1] =	stream.indirect.gather [hbm4b:s12+s5], $0x1, s3, s5, $0xb8;
	[tilespmem:$0x420] =	vst v63  }
0xf3: {  	s10 =	rddreg [dreg:$0x9]  }
0xf4: {  	[tilespmem:s6], [sflag:$0x1] =	stream.indirect.gather [hbm4b:s10+s5], $0x1, s3, s5, $0xb8;
	[tilespmem:$0x420] =	vst v63  }
0xf5: {  	s11 =	rddreg [dreg:$0xa]  }
0xf6: {  	[tilespmem:s2], [sflag:$0x1] =	stream.indirect.gather [hbm4b:s11+s5], $0x1, s3, s5, $0xb8;
	[tilespmem:$0x420] =	vst v63  }
0xf7: {  	s12 =	rddreg [dreg:$0xb]  }
0xf8: {  	[tilespmem:s1], [sflag:$0x1] =	stream.indirect.gather [hbm4b:s12+s5], $0x1, s3, s5, $0xb8;
	[tilespmem:$0x420] =	vst v63  }
0xf9: {  	s8 =	rddreg [dreg:$0xc];
	s10 =	simm.s32 $0x120  }
0xfa: {  	[tilespmem:s10], [sflag:$0x1] =	stream.indirect.gather [hbm4b:s8+s5], $0x1, s3, s5, $0xb8;
	[tilespmem:$0x420] =	vst v63  }
0xfb: {  	s9 =	rddreg [dreg:$0xd];
	s12 =	simm.s32 $0x140  }
0xfc: {  	[tilespmem:s12], [sflag:$0x1] =	stream.indirect.gather [hbm4b:s9+s5], $0x1, s3, s5, $0xb8;
	[tilespmem:$0x420] =	vst v63  }
0xfd: {  	s11 =	rddreg [dreg:$0xe];
	s8 =	simm.s32 $0x160  }
0xfe: {  	[tilespmem:s8], [sflag:$0x1] =	stream.indirect.gather [hbm4b:s11+s5], $0x1, s3, s5, $0xb8;
	[tilespmem:$0x420] =	vst v63  }
0xff: {  	s7 =	rddreg [dreg:$0xf];
	s10 =	simm.s32 $0x180  }
0x100: {  	[tilespmem:s10], [sflag:$0x1] =	stream.indirect.gather [hbm4b:s7+s5], $0x1, s3, s5, $0xb8;
	[tilespmem:$0x420] =	vst v63  }
0x101: {  	s9 =	rddreg [dreg:$0x10];
	s12 =	simm.s32 $0x1A0  }
0x102: {  	[tilespmem:s12], [sflag:$0x1] =	stream.indirect.gather [hbm4b:s9+s5], $0x1, s3, s5, $0xb8;
	[tilespmem:$0x420] =	vst v63  }
0x103: {  	s11 =	rddreg [dreg:$0x11];
	s8 =	simm.s32 $0x1C0  }
0x104: {  	[tilespmem:s8], [sflag:$0x1] =	stream.indirect.gather [hbm4b:s11+s5], $0x1, s3, s5, $0xb8;
	[tilespmem:$0x420] =	vst v63  }
0x105: {  	s7 =	rddreg [dreg:$0x12];
	s10 =	simm.s32 $0x1E0  }
0x106: {  	[tilespmem:s10], [sflag:$0x1] =	stream.indirect.gather [hbm4b:s7+s5], $0x1, s3, s5, $0xb8;
	[tilespmem:$0x420] =	vst v63  }
0x107: {  	s9 =	rddreg [dreg:$0x13]  }
0x108: {  	[tilespmem:s14], [sflag:$0x1] =	stream.indirect.gather [hbm4b:s9+s5], $0x1, s3, s5, $0xb8;
	[tilespmem:$0x420] =	vst v63  }
0x109: {  	_ =	swait.ge [sflag:s13], $0x20  }
0x10a: {  	[sflag:s13] =	ssyncset.done $0x0  }
0x10b: {  	[sflag:s13] =	ssyncadd.s32 $0xFFFFFFE0  }
0x10c: {  	_ =	swait.ge [sflag:s13], $0x20  }
0x10d: {  	[sflag:s13] =	ssyncset.done $0x0  }
0x10e: {  	[sflag:s13] =	ssyncadd.s32 $0xFFFFFFE0  }
0x10f: {  	_ =	swait.ge [sflag:s13], $0x20  }
0x110: {  	[sflag:s13] =	ssyncset.done $0x0  }
0x111: {  	[sflag:s13] =	ssyncadd.s32 $0xFFFFFFE0  }
0x112: {  	_ =	swait.ge [sflag:s13], $0x20  }
0x113: {  	[sflag:s13] =	ssyncset.done $0x0  }
0x114: {  	[sflag:s13] =	ssyncadd.s32 $0xFFFFFFE0  }
0x115: {  	_ =	swait.ge [sflag:s13], $0x20  }
0x116: {  	[sflag:s13] =	ssyncset.done $0x0  }
0x117: {  	[sflag:s13] =	ssyncadd.s32 $0xFFFFFFE0  }
0x118: {  	_ =	swait.ge [sflag:s13], $0x20  }
0x119: {  	[sflag:s13] =	ssyncset.done $0x0  }
0x11a: {  	[sflag:s13] =	ssyncadd.s32 $0xFFFFFFE0  }
0x11b: {  	_ =	swait.ge [sflag:s13], $0x20  }
0x11c: {  	[sflag:s13] =	ssyncset.done $0x0  }
0x11d: {  	[sflag:s13] =	ssyncadd.s32 $0xFFFFFFE0  }
0x11e: {  	_ =	swait.ge [sflag:s13], $0x20  }
0x11f: {  	[sflag:s13] =	ssyncset.done $0x0  }
0x120: {  	[sflag:s13] =	ssyncadd.s32 $0xFFFFFFE0  }
0x121: {  	_ =	swait.ge [sflag:s13], $0x20  }
0x122: {  	[sflag:s13] =	ssyncset.done $0x0  }
0x123: {  	[sflag:s13] =	ssyncadd.s32 $0xFFFFFFE0  }
0x124: {  	_ =	swait.ge [sflag:s13], $0x20  }
0x125: {  	[sflag:s13] =	ssyncset.done $0x0  }
0x126: {  	[sflag:s13] =	ssyncadd.s32 $0xFFFFFFE0  }
0x127: {  	_ =	swait.ge [sflag:s13], $0x20  }
0x128: {  	[sflag:s13] =	ssyncset.done $0x0  }
0x129: {  	[sflag:s13] =	ssyncadd.s32 $0xFFFFFFE0  }
0x12a: {  	_ =	swait.ge [sflag:s13], $0x20  }
0x12b: {  	[sflag:s13] =	ssyncset.done $0x0  }
0x12c: {  	[sflag:s13] =	ssyncadd.s32 $0xFFFFFFE0  }
0x12d: {  	_ =	swait.ge [sflag:s13], $0x20  }
0x12e: {  	[sflag:s13] =	ssyncset.done $0x0  }
0x12f: {  	[sflag:s13] =	ssyncadd.s32 $0xFFFFFFE0  }
0x130: {  	_ =	swait.ge [sflag:s13], $0x20  }
0x131: {  	[sflag:s13] =	ssyncset.done $0x0  }
0x132: {  	[sflag:s13] =	ssyncadd.s32 $0xFFFFFFE0  }
0x133: {  	_ =	swait.ge [sflag:s13], $0x20  }
0x134: {  	[sflag:s13] =	ssyncset.done $0x0  }
0x135: {  	[sflag:s13] =	ssyncadd.s32 $0xFFFFFFE0  }
0x136: {  	_ =	swait.ge [sflag:s13], $0x20  }
0x137: {  	s11 =	rddreg [dreg:$0x14];
	[sflag:s13] =	ssyncset.done $0x0  }
0x138: {  	s12 =	rddreg [dreg:$0x15];
	[sflag:s13] =	ssyncadd.s32 $0xFFFFFFE0  }
0x139: {  	[tilespmem:s15], [sflag:$0x1] =	stream.indirect.gather [hbm4b:s11+s5], $0x1, s3, s5, $0xb8;
	[tilespmem:$0x420] =	vst v63  }
0x13a: {  	s6 =	rddreg [dreg:$0x16]  }
0x13b: {  	[tilespmem:s16], [sflag:$0x1] =	stream.indirect.gather [hbm4b:s12+s5], $0x1, s3, s5, $0xb8;
	[tilespmem:$0x420] =	vst v63  }
0x13c: {  	s7 =	rddreg [dreg:$0x17]  }
0x13d: {  	[tilespmem:s17], [sflag:$0x1] =	stream.indirect.gather [hbm4b:s6+s5], $0x1, s3, s5, $0xb8;
	[tilespmem:$0x420] =	vst v63  }
0x13e: {  	s8 =	rddreg [dreg:$0x18]  }
0x13f: {  	[tilespmem:s18], [sflag:$0x1] =	stream.indirect.gather [hbm4b:s7+s5], $0x1, s3, s5, $0xb8;
	[tilespmem:$0x420] =	vst v63  }
0x140: {  	s9 =	rddreg [dreg:$0x19]  }
0x141: {  	[tilespmem:s19], [sflag:$0x1] =	stream.indirect.gather [hbm4b:s8+s5], $0x1, s3, s5, $0xb8;
	[tilespmem:$0x420] =	vst v63  }
0x142: {  	s10 =	rddreg [dreg:$0x1a]  }
0x143: {  	[tilespmem:s20], [sflag:$0x1] =	stream.indirect.gather [hbm4b:s9+s5], $0x1, s3, s5, $0xb8;
	[tilespmem:$0x420] =	vst v63  }
0x144: {  	s11 =	rddreg [dreg:$0x1b]  }
0x145: {  	[tilespmem:s21], [sflag:$0x1] =	stream.indirect.gather [hbm4b:s10+s5], $0x1, s3, s5, $0xb8;
	[tilespmem:$0x420] =	vst v63  }
0x146: {  	s12 =	rddreg [dreg:$0x1c]  }
0x147: {  	[tilespmem:s22], [sflag:$0x1] =	stream.indirect.gather [hbm4b:s11+s5], $0x1, s3, s5, $0xb8;
	[tilespmem:$0x420] =	vst v63  }
0x148: {  	s6 =	rddreg [dreg:$0x1d]  }
0x149: {  	[tilespmem:s23], [sflag:$0x1] =	stream.indirect.gather [hbm4b:s12+s5], $0x1, s3, s5, $0xb8;
	[tilespmem:$0x420] =	vst v63  }
0x14a: {  	s7 =	rddreg [dreg:$0x1e]  }
0x14b: {  	[tilespmem:s24], [sflag:$0x1] =	stream.indirect.gather [hbm4b:s6+s5], $0x1, s3, s5, $0xb8;
	[tilespmem:$0x420] =	vst v63  }
0x14c: {  	s8 =	rddreg [dreg:$0x1f]  }
0x14d: {  	[tilespmem:s25], [sflag:$0x1] =	stream.indirect.gather [hbm4b:s7+s5], $0x1, s3, s5, $0xb8;
	[tilespmem:$0x420] =	vst v63  }
0x14e: {  	s9 =	sld [smem:$0x7F9]  }
0x14f: {  	[tilespmem:s26], [sflag:$0x1] =	stream.indirect.gather [hbm4b:s8+s5], $0x1, s3, s5, $0xb8;
	[tilespmem:$0x420] =	vst v63  }
0x150: {  	s10 =	sld [smem:$0x7FA]  }
0x151: {  	[tilespmem:s28], [sflag:$0x1] =	stream.indirect.gather [hbm4b:s9+s5], $0x1, s3, s5, $0xb8;
	[tilespmem:$0x420] =	vst v63  }
0x152: {  	s11 =	sld [smem:$0x7FB]  }
0x153: {  	[tilespmem:s29], [sflag:$0x1] =	stream.indirect.gather [hbm4b:s10+s5], $0x1, s3, s5, $0xb8;
	[tilespmem:$0x420] =	vst v63  }
0x154: {  	s12 =	sld [smem:$0x7FC]  }
0x155: {  	[tilespmem:s31], [sflag:$0x1] =	stream.indirect.gather [hbm4b:s11+s5], $0x1, s3, s5, $0xb8;
	[tilespmem:$0x420] =	vst v63  }
0x156: {  	_ = 	snop  }
0x157: {  	[tilespmem:s30], [sflag:$0x1] =	stream.indirect.gather [hbm4b:s12+s5], $0x1, s3, s5, $0xb8;
	[tilespmem:$0x420] =	vst v63  }
0x158: {  	_ =	swait.ge [sflag:s13], $0x20  }
0x159: {  	[sflag:s13] =	ssyncset.done $0x0  }
0x15a: {  	[sflag:s13] =	ssyncadd.s32 $0xFFFFFFE0  }
0x15b: {  	_ =	swait.ge [sflag:s13], $0x20  }
0x15c: {  	[sflag:s13] =	ssyncset.done $0x0  }
0x15d: {  	[sflag:s13] =	ssyncadd.s32 $0xFFFFFFE0  }
0x15e: {  	_ =	swait.ge [sflag:s13], $0x20  }
0x15f: {  	[sflag:s13] =	ssyncset.done $0x0  }
0x160: {  	[sflag:s13] =	ssyncadd.s32 $0xFFFFFFE0  }
0x161: {  	_ =	swait.ge [sflag:s13], $0x20  }
0x162: {  	[sflag:s13] =	ssyncset.done $0x0  }
0x163: {  	[sflag:s13] =	ssyncadd.s32 $0xFFFFFFE0  }
0x164: {  	_ =	swait.ge [sflag:s13], $0x20  }
0x165: {  	[sflag:s13] =	ssyncset.done $0x0  }
0x166: {  	[sflag:s13] =	ssyncadd.s32 $0xFFFFFFE0  }
0x167: {  	_ =	swait.ge [sflag:s13], $0x20  }
0x168: {  	[sflag:s13] =	ssyncset.done $0x0  }
0x169: {  	[sflag:s13] =	ssyncadd.s32 $0xFFFFFFE0  }
0x16a: {  	_ =	swait.ge [sflag:s13], $0x20  }
0x16b: {  	[sflag:s13] =	ssyncset.done $0x0  }
0x16c: {  	[sflag:s13] =	ssyncadd.s32 $0xFFFFFFE0  }
0x16d: {  	_ =	swait.ge [sflag:s13], $0x20  }
0x16e: {  	[sflag:s13] =	ssyncset.done $0x0  }
0x16f: {  	[sflag:s13] =	ssyncadd.s32 $0xFFFFFFE0  }
0x170: {  	_ =	swait.ge [sflag:s13], $0x20  }
0x171: {  	[sflag:s13] =	ssyncset.done $0x0  }
0x172: {  	[sflag:s13] =	ssyncadd.s32 $0xFFFFFFE0  }
0x173: {  	_ =	swait.ge [sflag:s13], $0x20  }
0x174: {  	[sflag:s13] =	ssyncset.done $0x0  }
0x175: {  	[sflag:s13] =	ssyncadd.s32 $0xFFFFFFE0  }
0x176: {  	_ =	swait.ge [sflag:s13], $0x20  }
0x177: {  	[sflag:s13] =	ssyncset.done $0x0  }
0x178: {  	[sflag:s13] =	ssyncadd.s32 $0xFFFFFFE0  }
0x179: {  	_ =	swait.ge [sflag:s13], $0x20  }
0x17a: {  	[sflag:s13] =	ssyncset.done $0x0  }
0x17b: {  	[sflag:s13] =	ssyncadd.s32 $0xFFFFFFE0  }
0x17c: {  	_ =	swait.ge [sflag:s13], $0x20  }
0x17d: {  	[sflag:s13] =	ssyncset.done $0x0  }
0x17e: {  	[sflag:s13] =	ssyncadd.s32 $0xFFFFFFE0  }
0x17f: {  	_ =	swait.ge [sflag:s13], $0x20  }
0x180: {  	p0 =	sne.s32 s0, $0x1;
	[sflag:s13] =	ssyncset.done $0x0  }
.Ltmp1:
0x181: {  	[sflag:s13] =	ssyncadd.s32 $0xFFFFFFE0;
	(pc) =	sbr.rel @p0 .LBB2_1-.Ltmp1, $4  }
0x182: {  	_ =	swait.ge [sflag:s13], $0x20  }
0x183: {  	[sflag:s13] =	ssyncset.done $0x0  }
0x184: {  	[sflag:s13] =	ssyncadd.s32 $0xFFFFFFE0  }
0x185: {  	s0 =	sadd.s32 $0xFFFFFFFF, s0;
	_ =	swait.ge [sflag:s13], $0x20  }
.LBB2_2:
0x186: {  	s0 =	sld [smem:$0x7F1]  }
0x187: {  	[sflag:s13] =	ssyncset.done $0x0  }
0x188: {  	[sflag:s13] =	ssyncadd.s32 $0xFFFFFFE0  }
0x189: {  	[hbm4b:s0+s5] =	stream.strided.scatter [tilespmem:s5], [sflag:$0x2], $0x400, s30, s5, $0x38;
	[tilespmem:$0x420] =	vst v63  }
0x18a: {  	_ =	swait.ge [sflag:s4], $0x400  }
0x18b: {  	[sflag:s4] =	ssyncset.done $0x0  }
0x18c: {  	[sflag:s4] =	ssyncadd.s32 $0xFFFFFC00  }
0x18d: {  	_ =	sfence.sel $0x180000  }
0x18e: {  	[bflag:$0x0] =	sbarrier.arrive $0xFFFF  }
0x18f: {  	_ =	strace $0x90000047  }
0x190: {  	s31 =	stileid.u32;
	[bflag:$0x2] =	sbarrier.arrive $0xFFFF  }
0x191: {  	p0 =	sne.s32 s31, $0x0;
	s0 =	rddreg [dreg:$0x3]  }
0x192: {  	s0 =	sadd.s32 @!p0 $0x100000, s0  }
0x193: {  	[sflag:s0] =	ssyncadd.tile.s32 @!p0 $0x1;
	_ =	shalt  }
.Lfunc_end2:
_tile_overlayer_lowered:
.L_overlay_start_2:
0x194: {  	(tag) =	ssettag $0x2  }
0x195: {  	s0 =	rddreg [dreg:$0x0];
	s2 =	stileid.u32  }
0x196: {  	s1 =	rddreg [dreg:$0x1];
	p0 =	sne.s32 s2, $0x0  }
0x197: {  	s3 =	rddreg [dreg:$0x2];
	[bflag:$0x3] =	sbarrier.arrive $0xFFFF;
	s2 =	simm.s32 @!p0 $0x1C02  }
0x198: {  	[timem:s3], [sflag:s2] =	dma.local @!p0 [hbm:s0], s1  }
0x199: {  	s0 =	simm.s32 @!p0 $0x2  }
0x19a: {  	_ =	swait.ge @!p0 [sflag:s0], s1  }
0x19b: {  	s1 =	ssub.s32 @!p0 $0x0, s1;
	[sflag:s0] =	ssyncset.done @!p0 $0x0  }
0x19c: {  	[sflag:s0] =	ssyncadd.s32 @!p0 s1  }
0x19d: {  	[bflag:$0x3] =	sbarrier.arrive $0xFFFF  }
0x19e: {  	_ =	shalt  }

</sc_bundles>
